<compile_context>
chip_gen: v7x
topology: tpu7x:2x2x1
jax: 0.10.2.dev20260603
libtpu: 0.0.44.dev20260713+nightly
codegen_flags: <defaults>
</compile_context>

<pallas_src>
import functools
import math

import jax
import jax.numpy as jnp
from jax import lax
from jax.experimental import pallas as pl
from jax.experimental.pallas import tpu as pltpu
from jax.experimental.pallas import tpu_sc as plsc

D = 64
SCALE = 8.0

NC = 2
NS = 16
NW = NC * NS

IDX_MINOR = 128
K = 2
CHUNK = K * IDX_MINOR
LANES = 16

NBUF = 5
PREFETCH = 3


def _sc_gather(idx2d, tab):
    n_idx_rows, _ = idx2d.shape
    B = n_idx_rows * IDX_MINOR
    b_per_w = B // NW
    n_chunks = b_per_w // CHUNK
    idx_rows_per_w = b_per_w // IDX_MINOR
    assert n_chunks % NBUF == 0

    mesh = plsc.VectorSubcoreMesh(core_axis_name="c", subcore_axis_name="s")

    @functools.partial(
        pl.kernel,
        out_type=jax.ShapeDtypeStruct((B, D), jnp.float32),
        mesh=mesh,
        scratch_types=[
            pltpu.VMEM((idx_rows_per_w, IDX_MINOR), jnp.int32),
            pltpu.VMEM((NBUF, CHUNK, D), jnp.float32),
            pltpu.SemaphoreType.DMA((NBUF,)),
            pltpu.SemaphoreType.DMA((NBUF,)),
        ],
        compiler_params=pltpu.CompilerParams(use_tc_tiling_on_sc=False),
    )
    def k(idx_hbm, table_hbm, out_hbm, idx_v, rows_v, gsem, osem):
        wid = lax.axis_index("s") * NC + lax.axis_index("c")
        row_base = pl.multiple_of(wid * b_per_w, 8)
        idx_row_base = pl.multiple_of(wid * idx_rows_per_w, 8)
        pltpu.sync_copy(idx_hbm.at[pl.ds(idx_row_base, idx_rows_per_w)], idx_v)

        def fire_gather(f, b):
            for jj in range(K):
                pltpu.async_copy(
                    table_hbm.at[idx_v.at[f * K + jj]],
                    rows_v.at[b, pl.ds(jj * IDX_MINOR, IDX_MINOR)],
                    gsem.at[b],
                )

        def wait_gather(b):
            pltpu.make_async_copy(
                table_hbm.at[pl.ds(0, CHUNK)], rows_v.at[b], gsem.at[b]
            ).wait()

        def wait_out(b):
            pltpu.make_async_copy(
                rows_v.at[b], out_hbm.at[pl.ds(0, CHUNK)], osem.at[b]
            ).wait()

        for p in range(PREFETCH):
            fire_gather(p, p)

        def super_body(s, carry):
            g0 = s * NBUF
            for j in range(NBUF):
                g = g0 + j
                f = g + PREFETCH
                bf = (j + PREFETCH) % NBUF

                @pl.when(jnp.logical_and(f >= NBUF, f < n_chunks))
                def _():
                    wait_out(bf)

                @pl.when(f < n_chunks)
                def _():
                    fire_gather(f, bf)

                wait_gather(j)

                def scale_row(i, c):
                    for q in range(D // LANES):
                        sl = pl.ds(q * LANES, LANES)
                        rows_v[j, i, sl] = rows_v[j, i, sl] * SCALE
                    return c

                lax.fori_loop(0, CHUNK, scale_row, 0)

                row0 = pl.multiple_of(row_base + g * CHUNK, 8)
                pltpu.async_copy(
                    rows_v.at[j], out_hbm.at[pl.ds(row0, CHUNK)], osem.at[j]
                )
            return carry

        lax.fori_loop(0, n_chunks // NBUF, super_body, 0)

        for j in range(NBUF):
            wait_out(j)

    return k(idx2d, tab)


def kernel(x, lut):
    S, T = x.shape
    B = S * T
    idx2d = x.reshape(B // IDX_MINOR, IDX_MINOR)
    z = _sc_gather(idx2d, lut)
    return z.reshape(S, T, D)

# --- scband reference (transcript-rebuilt; emitter-appended) ---
"""Pipeline reference for scband-embedding-82867099009397 (READ-ONLY COPY).

The authoritative reference and input builder live on the scoring server;
editing this copy changes nothing except your own understanding.
"""

import jax, jax.numpy as jnp
import numpy as np
import math

VOCAB = 1000000
D_MODEL = 64

def setup_inputs(seed: int = 0) -> dict:
    key = jax.random.key(seed)
    k1, k2 = jax.random.split(key)
    x = jax.random.randint(k1, (4096, 200), 0, VOCAB, dtype=jnp.int64 if jax.config.jax_enable_x64 else jnp.int32).astype(jnp.int32)
    lut = jax.random.normal(k2, (VOCAB, D_MODEL), dtype=jnp.float32) * (0.125 / math.sqrt(D_MODEL))
    return {"x": x, "lut": lut}

def reference(x, lut):
    # Embedding lookup followed by sqrt(d_model) scaling
    emb = jnp.take(lut, x, axis=0)
    return emb * math.sqrt(D_MODEL)

if __name__ == "__main__":
    import jax
    _d = setup_inputs()
    print(jax.jit(kernel)(*tuple(_d.values())))

</pallas_src>

<mosaic_0001>
#map = affine_map<(d0, d1) -> (0, 0)>
module attributes {stable_mosaic.version = 14 : i64} {
  func.func @k(%arg0: i32, %arg1: i32, %arg2: memref<6400x128xi32, #tpu.memory_space<hbm>>, %arg3: memref<1000000x64xf32, #tpu.memory_space<hbm>>, %arg4: memref<819200x64xf32, #tpu.memory_space<hbm>>, %arg5: memref<200x128xi32, #tpu.memory_space<vmem>>, %arg6: memref<5x256x64xf32, #tpu.memory_space<vmem>>, %arg7: memref<5x!tpu.dma_semaphore, #tpu.memory_space<semaphore_mem>>, %arg8: memref<5x!tpu.dma_semaphore, #tpu.memory_space<semaphore_mem>>) attributes {dimension_semantics = [#tpu.dimension_semantics<core_parallel>, #tpu.dimension_semantics<subcore_parallel>], iteration_bounds = array<i64: 2, 16>, scalar_prefetch = 0 : i64, scratch_operands = 4 : i64, tpu.core_type = #tpu.core_type<sc_vector_subcore>, window_params = [{transform_indices = #map}, {transform_indices = #map}, {transform_indices = #map}]} {
    %mul3A = arith.constant 2 : i32
    %mul3A_0 = arith.muli %arg1, %mul3A : i32
    %add3A = arith.addi %mul3A_0, %arg0 : i32
    %mul3A_1 = arith.constant 25600 : i32
    %mul3A_2 = arith.muli %add3A, %mul3A_1 : i32
    %multiple_of3A = tpu.assume_multiple %mul3A_2, 8 : i32
    %mul3A_3 = arith.constant 200 : i32
    %mul3A_4 = arith.muli %add3A, %mul3A_3 : i32
    %multiple_of3A_5 = tpu.assume_multiple %mul3A_4, 8 : i32
    "tpu.region"() ({
      %run_scoped3A = tpu.sem_alloc : memref<!tpu.dma_semaphore, #tpu.memory_space<semaphore_mem>>
      %dma_start3A_189 = arith.constant 0 : i32
      %dma_start3A_190 = tpu.memref_slice %arg2[%multiple_of3A_5, %dma_start3A_189] : memref<6400x128xi32, #tpu.memory_space<hbm>> -> memref<200x128xi32, #tpu.memory_space<hbm>>
      %dma_start3A_191 = arith.constant 0 : i32
      %dma_start3A_192 = tpu.memref_slice %arg2[%multiple_of3A_5, %dma_start3A_191] : memref<6400x128xi32, #tpu.memory_space<hbm>> -> memref<200x128xi32, #tpu.memory_space<hbm>>
      tpu.enqueue_dma source(%dma_start3A_192 : memref<200x128xi32, #tpu.memory_space<hbm>>) target(%arg5 : memref<200x128xi32, #tpu.memory_space<vmem>>) target_semaphore(%run_scoped3A : memref<!tpu.dma_semaphore, #tpu.memory_space<semaphore_mem>>)
      %dma_wait3A_193 = arith.constant 0 : i32
      %dma_wait3A_194 = tpu.memref_slice %arg2[%multiple_of3A_5, %dma_wait3A_193] : memref<6400x128xi32, #tpu.memory_space<hbm>> -> memref<200x128xi32, #tpu.memory_space<hbm>>
      %dma_wait3A_195 = arith.constant 0 : i32
      %dma_wait3A_196 = tpu.memref_slice %arg2[%multiple_of3A_5, %dma_wait3A_195] : memref<6400x128xi32, #tpu.memory_space<hbm>> -> memref<200x128xi32, #tpu.memory_space<hbm>>
      tpu.wait_dma2 semaphore(%run_scoped3A : memref<!tpu.dma_semaphore, #tpu.memory_space<semaphore_mem>>) src(%dma_wait3A_196 : memref<200x128xi32, #tpu.memory_space<hbm>>) dst(%arg5 : memref<200x128xi32, #tpu.memory_space<vmem>>)
      tpu.yield
    }) : () -> ()
    %dma_start3A = arith.constant 0 : i32
    %dma_start3A_6 = arith.constant 0 : i32
    %dma_start3A_7 = arith.constant 0 : i32
    %dma_start3A_8 = arith.constant 0 : i32
    %dma_start3A_9 = arith.constant 0 : i32
    %dma_start3A_10 = tpu.memref_slice %arg6[%dma_start3A_6, %dma_start3A_8, %dma_start3A_9] : memref<5x256x64xf32, #tpu.memory_space<vmem>> -> memref<1x128x64xf32, #tpu.memory_space<vmem>>
    %dma_start3A_11 = tpu.memref_squeeze %dma_start3A_10 : memref<1x128x64xf32, #tpu.memory_space<vmem>> -> memref<128x64xf32, #tpu.memory_space<vmem>>
    %dma_start3A_12 = arith.constant 0 : i32
    %dma_start3A_13 = tpu.memref_slice %arg5[%dma_start3A, %dma_start3A_12] : memref<200x128xi32, #tpu.memory_space<vmem>> -> memref<1x128xi32, #tpu.memory_space<vmem>>
    %dma_start3A_14 = tpu.memref_squeeze %dma_start3A_13 : memref<1x128xi32, #tpu.memory_space<vmem>> -> memref<128xi32, #tpu.memory_space<vmem>>
    %dma_start3A_15 = arith.constant 0 : i32
    %dma_start3A_16 = arith.constant 0 : i32
    %dma_start3A_17 = tpu.memref_slice %arg3[%dma_start3A_15, %dma_start3A_16] : memref<1000000x64xf32, #tpu.memory_space<hbm>> -> memref<1000000x64xf32, #tpu.memory_space<hbm>>
    %dma_start3A_18 = tpu.memref_slice %arg7[%dma_start3A_7] : memref<5x!tpu.dma_semaphore, #tpu.memory_space<semaphore_mem>> -> memref<1x!tpu.dma_semaphore, #tpu.memory_space<semaphore_mem>>
    %dma_start3A_19 = tpu.memref_squeeze %dma_start3A_18 : memref<1x!tpu.dma_semaphore, #tpu.memory_space<semaphore_mem>> -> memref<!tpu.dma_semaphore, #tpu.memory_space<semaphore_mem>>
    tpu.enqueue_indirect_dma source(%dma_start3A_17 : memref<1000000x64xf32, #tpu.memory_space<hbm>>) target(%dma_start3A_11 : memref<128x64xf32, #tpu.memory_space<vmem>>) offsets(%dma_start3A_14 : memref<128xi32, #tpu.memory_space<vmem>>) semaphore(%dma_start3A_19 : memref<!tpu.dma_semaphore, #tpu.memory_space<semaphore_mem>>)
    %dma_start3A_20 = arith.constant 1 : i32
    %dma_start3A_21 = arith.constant 0 : i32
    %dma_start3A_22 = arith.constant 0 : i32
    %dma_start3A_23 = arith.constant 128 : i32
    %dma_start3A_24 = arith.constant 0 : i32
    %dma_start3A_25 = tpu.memref_slice %arg6[%dma_start3A_21, %dma_start3A_23, %dma_start3A_24] : memref<5x256x64xf32, #tpu.memory_space<vmem>> -> memref<1x128x64xf32, #tpu.memory_space<vmem>>
    %dma_start3A_26 = tpu.memref_squeeze %dma_start3A_25 : memref<1x128x64xf32, #tpu.memory_space<vmem>> -> memref<128x64xf32, #tpu.memory_space<vmem>>
    %dma_start3A_27 = arith.constant 0 : i32
    %dma_start3A_28 = tpu.memref_slice %arg5[%dma_start3A_20, %dma_start3A_27] : memref<200x128xi32, #tpu.memory_space<vmem>> -> memref<1x128xi32, #tpu.memory_space<vmem>>
    %dma_start3A_29 = tpu.memref_squeeze %dma_start3A_28 : memref<1x128xi32, #tpu.memory_space<vmem>> -> memref<128xi32, #tpu.memory_space<vmem>>
    %dma_start3A_30 = arith.constant 0 : i32
    %dma_start3A_31 = arith.constant 0 : i32
    %dma_start3A_32 = tpu.memref_slice %arg3[%dma_start3A_30, %dma_start3A_31] : memref<1000000x64xf32, #tpu.memory_space<hbm>> -> memref<1000000x64xf32, #tpu.memory_space<hbm>>
    %dma_start3A_33 = tpu.memref_slice %arg7[%dma_start3A_22] : memref<5x!tpu.dma_semaphore, #tpu.memory_space<semaphore_mem>> -> memref<1x!tpu.dma_semaphore, #tpu.memory_space<semaphore_mem>>
    %dma_start3A_34 = tpu.memref_squeeze %dma_start3A_33 : memref<1x!tpu.dma_semaphore, #tpu.memory_space<semaphore_mem>> -> memref<!tpu.dma_semaphore, #tpu.memory_space<semaphore_mem>>
    tpu.enqueue_indirect_dma source(%dma_start3A_32 : memref<1000000x64xf32, #tpu.memory_space<hbm>>) target(%dma_start3A_26 : memref<128x64xf32, #tpu.memory_space<vmem>>) offsets(%dma_start3A_29 : memref<128xi32, #tpu.memory_space<vmem>>) semaphore(%dma_start3A_34 : memref<!tpu.dma_semaphore, #tpu.memory_space<semaphore_mem>>)
    %dma_start3A_35 = arith.constant 2 : i32
    %dma_start3A_36 = arith.constant 1 : i32
    %dma_start3A_37 = arith.constant 1 : i32
    %dma_start3A_38 = arith.constant 0 : i32
    %dma_start3A_39 = arith.constant 0 : i32
    %dma_start3A_40 = tpu.memref_slice %arg6[%dma_start3A_36, %dma_start3A_38, %dma_start3A_39] : memref<5x256x64xf32, #tpu.memory_space<vmem>> -> memref<1x128x64xf32, #tpu.memory_space<vmem>>
    %dma_start3A_41 = tpu.memref_squeeze %dma_start3A_40 : memref<1x128x64xf32, #tpu.memory_space<vmem>> -> memref<128x64xf32, #tpu.memory_space<vmem>>
    %dma_start3A_42 = arith.constant 0 : i32
    %dma_start3A_43 = tpu.memref_slice %arg5[%dma_start3A_35, %dma_start3A_42] : memref<200x128xi32, #tpu.memory_space<vmem>> -> memref<1x128xi32, #tpu.memory_space<vmem>>
    %dma_start3A_44 = tpu.memref_squeeze %dma_start3A_43 : memref<1x128xi32, #tpu.memory_space<vmem>> -> memref<128xi32, #tpu.memory_space<vmem>>
    %dma_start3A_45 = arith.constant 0 : i32
    %dma_start3A_46 = arith.constant 0 : i32
    %dma_start3A_47 = tpu.memref_slice %arg3[%dma_start3A_45, %dma_start3A_46] : memref<1000000x64xf32, #tpu.memory_space<hbm>> -> memref<1000000x64xf32, #tpu.memory_space<hbm>>
    %dma_start3A_48 = tpu.memref_slice %arg7[%dma_start3A_37] : memref<5x!tpu.dma_semaphore, #tpu.memory_space<semaphore_mem>> -> memref<1x!tpu.dma_semaphore, #tpu.memory_space<semaphore_mem>>
    %dma_start3A_49 = tpu.memref_squeeze %dma_start3A_48 : memref<1x!tpu.dma_semaphore, #tpu.memory_space<semaphore_mem>> -> memref<!tpu.dma_semaphore, #tpu.memory_space<semaphore_mem>>
    tpu.enqueue_indirect_dma source(%dma_start3A_47 : memref<1000000x64xf32, #tpu.memory_space<hbm>>) target(%dma_start3A_41 : memref<128x64xf32, #tpu.memory_space<vmem>>) offsets(%dma_start3A_44 : memref<128xi32, #tpu.memory_space<vmem>>) semaphore(%dma_start3A_49 : memref<!tpu.dma_semaphore, #tpu.memory_space<semaphore_mem>>)
    %dma_start3A_50 = arith.constant 3 : i32
    %dma_start3A_51 = arith.constant 1 : i32
    %dma_start3A_52 = arith.constant 1 : i32
    %dma_start3A_53 = arith.constant 128 : i32
    %dma_start3A_54 = arith.constant 0 : i32
    %dma_start3A_55 = tpu.memref_slice %arg6[%dma_start3A_51, %dma_start3A_53, %dma_start3A_54] : memref<5x256x64xf32, #tpu.memory_space<vmem>> -> memref<1x128x64xf32, #tpu.memory_space<vmem>>
    %dma_start3A_56 = tpu.memref_squeeze %dma_start3A_55 : memref<1x128x64xf32, #tpu.memory_space<vmem>> -> memref<128x64xf32, #tpu.memory_space<vmem>>
    %dma_start3A_57 = arith.constant 0 : i32
    %dma_start3A_58 = tpu.memref_slice %arg5[%dma_start3A_50, %dma_start3A_57] : memref<200x128xi32, #tpu.memory_space<vmem>> -> memref<1x128xi32, #tpu.memory_space<vmem>>
    %dma_start3A_59 = tpu.memref_squeeze %dma_start3A_58 : memref<1x128xi32, #tpu.memory_space<vmem>> -> memref<128xi32, #tpu.memory_space<vmem>>
    %dma_start3A_60 = arith.constant 0 : i32
    %dma_start3A_61 = arith.constant 0 : i32
    %dma_start3A_62 = tpu.memref_slice %arg3[%dma_start3A_60, %dma_start3A_61] : memref<1000000x64xf32, #tpu.memory_space<hbm>> -> memref<1000000x64xf32, #tpu.memory_space<hbm>>
    %dma_start3A_63 = tpu.memref_slice %arg7[%dma_start3A_52] : memref<5x!tpu.dma_semaphore, #tpu.memory_space<semaphore_mem>> -> memref<1x!tpu.dma_semaphore, #tpu.memory_space<semaphore_mem>>
    %dma_start3A_64 = tpu.memref_squeeze %dma_start3A_63 : memref<1x!tpu.dma_semaphore, #tpu.memory_space<semaphore_mem>> -> memref<!tpu.dma_semaphore, #tpu.memory_space<semaphore_mem>>
    tpu.enqueue_indirect_dma source(%dma_start3A_62 : memref<1000000x64xf32, #tpu.memory_space<hbm>>) target(%dma_start3A_56 : memref<128x64xf32, #tpu.memory_space<vmem>>) offsets(%dma_start3A_59 : memref<128xi32, #tpu.memory_space<vmem>>) semaphore(%dma_start3A_64 : memref<!tpu.dma_semaphore, #tpu.memory_space<semaphore_mem>>)
    %dma_start3A_65 = arith.constant 4 : i32
    %dma_start3A_66 = arith.constant 2 : i32
    %dma_start3A_67 = arith.constant 2 : i32
    %dma_start3A_68 = arith.constant 0 : i32
    %dma_start3A_69 = arith.constant 0 : i32
    %dma_start3A_70 = tpu.memref_slice %arg6[%dma_start3A_66, %dma_start3A_68, %dma_start3A_69] : memref<5x256x64xf32, #tpu.memory_space<vmem>> -> memref<1x128x64xf32, #tpu.memory_space<vmem>>
    %dma_start3A_71 = tpu.memref_squeeze %dma_start3A_70 : memref<1x128x64xf32, #tpu.memory_space<vmem>> -> memref<128x64xf32, #tpu.memory_space<vmem>>
    %dma_start3A_72 = arith.constant 0 : i32
    %dma_start3A_73 = tpu.memref_slice %arg5[%dma_start3A_65, %dma_start3A_72] : memref<200x128xi32, #tpu.memory_space<vmem>> -> memref<1x128xi32, #tpu.memory_space<vmem>>
    %dma_start3A_74 = tpu.memref_squeeze %dma_start3A_73 : memref<1x128xi32, #tpu.memory_space<vmem>> -> memref<128xi32, #tpu.memory_space<vmem>>
    %dma_start3A_75 = arith.constant 0 : i32
    %dma_start3A_76 = arith.constant 0 : i32
    %dma_start3A_77 = tpu.memref_slice %arg3[%dma_start3A_75, %dma_start3A_76] : memref<1000000x64xf32, #tpu.memory_space<hbm>> -> memref<1000000x64xf32, #tpu.memory_space<hbm>>
    %dma_start3A_78 = tpu.memref_slice %arg7[%dma_start3A_67] : memref<5x!tpu.dma_semaphore, #tpu.memory_space<semaphore_mem>> -> memref<1x!tpu.dma_semaphore, #tpu.memory_space<semaphore_mem>>
    %dma_start3A_79 = tpu.memref_squeeze %dma_start3A_78 : memref<1x!tpu.dma_semaphore, #tpu.memory_space<semaphore_mem>> -> memref<!tpu.dma_semaphore, #tpu.memory_space<semaphore_mem>>
    tpu.enqueue_indirect_dma source(%dma_start3A_77 : memref<1000000x64xf32, #tpu.memory_space<hbm>>) target(%dma_start3A_71 : memref<128x64xf32, #tpu.memory_space<vmem>>) offsets(%dma_start3A_74 : memref<128xi32, #tpu.memory_space<vmem>>) semaphore(%dma_start3A_79 : memref<!tpu.dma_semaphore, #tpu.memory_space<semaphore_mem>>)
    %dma_start3A_80 = arith.constant 5 : i32
    %dma_start3A_81 = arith.constant 2 : i32
    %dma_start3A_82 = arith.constant 2 : i32
    %dma_start3A_83 = arith.constant 128 : i32
    %dma_start3A_84 = arith.constant 0 : i32
    %dma_start3A_85 = tpu.memref_slice %arg6[%dma_start3A_81, %dma_start3A_83, %dma_start3A_84] : memref<5x256x64xf32, #tpu.memory_space<vmem>> -> memref<1x128x64xf32, #tpu.memory_space<vmem>>
    %dma_start3A_86 = tpu.memref_squeeze %dma_start3A_85 : memref<1x128x64xf32, #tpu.memory_space<vmem>> -> memref<128x64xf32, #tpu.memory_space<vmem>>
    %dma_start3A_87 = arith.constant 0 : i32
    %dma_start3A_88 = tpu.memref_slice %arg5[%dma_start3A_80, %dma_start3A_87] : memref<200x128xi32, #tpu.memory_space<vmem>> -> memref<1x128xi32, #tpu.memory_space<vmem>>
    %dma_start3A_89 = tpu.memref_squeeze %dma_start3A_88 : memref<1x128xi32, #tpu.memory_space<vmem>> -> memref<128xi32, #tpu.memory_space<vmem>>
    %dma_start3A_90 = arith.constant 0 : i32
    %dma_start3A_91 = arith.constant 0 : i32
    %dma_start3A_92 = tpu.memref_slice %arg3[%dma_start3A_90, %dma_start3A_91] : memref<1000000x64xf32, #tpu.memory_space<hbm>> -> memref<1000000x64xf32, #tpu.memory_space<hbm>>
    %dma_start3A_93 = tpu.memref_slice %arg7[%dma_start3A_82] : memref<5x!tpu.dma_semaphore, #tpu.memory_space<semaphore_mem>> -> memref<1x!tpu.dma_semaphore, #tpu.memory_space<semaphore_mem>>
    %dma_start3A_94 = tpu.memref_squeeze %dma_start3A_93 : memref<1x!tpu.dma_semaphore, #tpu.memory_space<semaphore_mem>> -> memref<!tpu.dma_semaphore, #tpu.memory_space<semaphore_mem>>
    tpu.enqueue_indirect_dma source(%dma_start3A_92 : memref<1000000x64xf32, #tpu.memory_space<hbm>>) target(%dma_start3A_86 : memref<128x64xf32, #tpu.memory_space<vmem>>) offsets(%dma_start3A_89 : memref<128xi32, #tpu.memory_space<vmem>>) semaphore(%dma_start3A_94 : memref<!tpu.dma_semaphore, #tpu.memory_space<semaphore_mem>>)
    %scan3A = arith.constant 0 : i32
    %scan3A_95 = arith.constant 0 : i32
    %scan3A_96 = arith.constant 20 : i32
    %scan3A_97 = arith.addi %scan3A_95, %scan3A_96 : i32
    %scan3A_98 = arith.constant 1 : i32
    scf.for %scan3A_189 = %scan3A_95 to %scan3A_97 step %scan3A_98  : i32 {
      %mul3A_190 = arith.constant 5 : i32
      %mul3A_191 = arith.muli %scan3A_189, %mul3A_190 : i32
      %add3A_192 = arith.constant 0 : i32
      %add3A_193 = arith.addi %mul3A_191, %add3A_192 : i32
      %add3A_194 = arith.constant 3 : i32
      %add3A_195 = arith.addi %add3A_193, %add3A_194 : i32
      %ge3A = arith.constant 5 : i32
      %ge3A_196 = arith.cmpi sge, %add3A_195, %ge3A : i32
      %lt3A = arith.constant 100 : i32
      %lt3A_197 = arith.cmpi slt, %add3A_195, %lt3A : i32
      %and3A = arith.andi %ge3A_196, %lt3A_197 : i1
      %convert_element_type3A = arith.extui %and3A : i1 to i32
      %cond3A = arith.constant 0 : i32
      %cond3A_198 = arith.cmpi ne, %convert_element_type3A, %cond3A : i32
      scf.if %cond3A_198 {
        %dma_wait3A_492 = arith.constant 3 : i32
        %dma_wait3A_493 = arith.constant 3 : i32
        %dma_wait3A_494 = arith.constant 0 : i32
        %dma_wait3A_495 = arith.constant 0 : i32
        %dma_wait3A_496 = tpu.memref_slice %arg6[%dma_wait3A_492, %dma_wait3A_494, %dma_wait3A_495] : memref<5x256x64xf32, #tpu.memory_space<vmem>> -> memref<1x256x64xf32, #tpu.memory_space<vmem>>
        %dma_wait3A_497 = tpu.memref_squeeze %dma_wait3A_496 : memref<1x256x64xf32, #tpu.memory_space<vmem>> -> memref<256x64xf32, #tpu.memory_space<vmem>>
        %dma_wait3A_498 = arith.constant 0 : i32
        %dma_wait3A_499 = arith.constant 0 : i32
        %dma_wait3A_500 = tpu.memref_slice %arg4[%dma_wait3A_498, %dma_wait3A_499] : memref<819200x64xf32, #tpu.memory_space<hbm>> -> memref<256x64xf32, #tpu.memory_space<hbm>>
        %dma_wait3A_501 = tpu.memref_slice %arg8[%dma_wait3A_493] : memref<5x!tpu.dma_semaphore, #tpu.memory_space<semaphore_mem>> -> memref<1x!tpu.dma_semaphore, #tpu.memory_space<semaphore_mem>>
        %dma_wait3A_502 = tpu.memref_squeeze %dma_wait3A_501 : memref<1x!tpu.dma_semaphore, #tpu.memory_space<semaphore_mem>> -> memref<!tpu.dma_semaphore, #tpu.memory_space<semaphore_mem>>
        %dma_wait3A_503 = arith.constant 0 : i32
        %dma_wait3A_504 = arith.constant 0 : i32
        %dma_wait3A_505 = tpu.memref_slice %arg4[%dma_wait3A_503, %dma_wait3A_504] : memref<819200x64xf32, #tpu.memory_space<hbm>> -> memref<256x64xf32, #tpu.memory_space<hbm>>
        %dma_wait3A_506 = arith.constant 0 : i32
        %dma_wait3A_507 = arith.constant 0 : i32
        %dma_wait3A_508 = tpu.memref_slice %arg6[%dma_wait3A_492, %dma_wait3A_506, %dma_wait3A_507] : memref<5x256x64xf32, #tpu.memory_space<vmem>> -> memref<1x256x64xf32, #tpu.memory_space<vmem>>
        %dma_wait3A_509 = tpu.memref_squeeze %dma_wait3A_508 : memref<1x256x64xf32, #tpu.memory_space<vmem>> -> memref<256x64xf32, #tpu.memory_space<vmem>>
        tpu.wait_dma2 semaphore(%dma_wait3A_502 : memref<!tpu.dma_semaphore, #tpu.memory_space<semaphore_mem>>) src(%dma_wait3A_509 : memref<256x64xf32, #tpu.memory_space<vmem>>) dst(%dma_wait3A_505 : memref<256x64xf32, #tpu.memory_space<hbm>>)
      } else {
      }
      %lt3A_199 = arith.constant 100 : i32
      %lt3A_200 = arith.cmpi slt, %add3A_195, %lt3A_199 : i32
      %convert_element_type3A_201 = arith.extui %lt3A_200 : i1 to i32
      %cond3A_202 = arith.constant 0 : i32
      %cond3A_203 = arith.cmpi ne, %convert_element_type3A_201, %cond3A_202 : i32
      scf.if %cond3A_203 {
        %mul3A_492 = arith.constant 2 : i32
        %mul3A_493 = arith.muli %add3A_195, %mul3A_492 : i32
        %add3A_494 = arith.constant 0 : i32
        %add3A_495 = arith.addi %mul3A_493, %add3A_494 : i32
        %dma_start3A_496 = arith.constant 3 : i32
        %dma_start3A_497 = arith.constant 3 : i32
        %dma_start3A_498 = arith.constant 0 : i32
        %dma_start3A_499 = arith.constant 0 : i32
        %dma_start3A_500 = tpu.memref_slice %arg6[%dma_start3A_496, %dma_start3A_498, %dma_start3A_499] : memref<5x256x64xf32, #tpu.memory_space<vmem>> -> memref<1x128x64xf32, #tpu.memory_space<vmem>>
        %dma_start3A_501 = tpu.memref_squeeze %dma_start3A_500 : memref<1x128x64xf32, #tpu.memory_space<vmem>> -> memref<128x64xf32, #tpu.memory_space<vmem>>
        %dma_start3A_502 = arith.constant 0 : i32
        %dma_start3A_503 = tpu.memref_slice %arg5[%add3A_495, %dma_start3A_502] : memref<200x128xi32, #tpu.memory_space<vmem>> -> memref<1x128xi32, #tpu.memory_space<vmem>>
        %dma_start3A_504 = tpu.memref_squeeze %dma_start3A_503 : memref<1x128xi32, #tpu.memory_space<vmem>> -> memref<128xi32, #tpu.memory_space<vmem>>
        %dma_start3A_505 = arith.constant 0 : i32
        %dma_start3A_506 = arith.constant 0 : i32
        %dma_start3A_507 = tpu.memref_slice %arg3[%dma_start3A_505, %dma_start3A_506] : memref<1000000x64xf32, #tpu.memory_space<hbm>> -> memref<1000000x64xf32, #tpu.memory_space<hbm>>
        %dma_start3A_508 = tpu.memref_slice %arg7[%dma_start3A_497] : memref<5x!tpu.dma_semaphore, #tpu.memory_space<semaphore_mem>> -> memref<1x!tpu.dma_semaphore, #tpu.memory_space<semaphore_mem>>
        %dma_start3A_509 = tpu.memref_squeeze %dma_start3A_508 : memref<1x!tpu.dma_semaphore, #tpu.memory_space<semaphore_mem>> -> memref<!tpu.dma_semaphore, #tpu.memory_space<semaphore_mem>>
        tpu.enqueue_indirect_dma source(%dma_start3A_507 : memref<1000000x64xf32, #tpu.memory_space<hbm>>) target(%dma_start3A_501 : memref<128x64xf32, #tpu.memory_space<vmem>>) offsets(%dma_start3A_504 : memref<128xi32, #tpu.memory_space<vmem>>) semaphore(%dma_start3A_509 : memref<!tpu.dma_semaphore, #tpu.memory_space<semaphore_mem>>)
        %mul3A_510 = arith.constant 2 : i32
        %mul3A_511 = arith.muli %add3A_195, %mul3A_510 : i32
        %add3A_512 = arith.constant 1 : i32
        %add3A_513 = arith.addi %mul3A_511, %add3A_512 : i32
        %dma_start3A_514 = arith.constant 3 : i32
        %dma_start3A_515 = arith.constant 3 : i32
        %dma_start3A_516 = arith.constant 128 : i32
        %dma_start3A_517 = arith.constant 0 : i32
        %dma_start3A_518 = tpu.memref_slice %arg6[%dma_start3A_514, %dma_start3A_516, %dma_start3A_517] : memref<5x256x64xf32, #tpu.memory_space<vmem>> -> memref<1x128x64xf32, #tpu.memory_space<vmem>>
        %dma_start3A_519 = tpu.memref_squeeze %dma_start3A_518 : memref<1x128x64xf32, #tpu.memory_space<vmem>> -> memref<128x64xf32, #tpu.memory_space<vmem>>
        %dma_start3A_520 = arith.constant 0 : i32
        %dma_start3A_521 = tpu.memref_slice %arg5[%add3A_513, %dma_start3A_520] : memref<200x128xi32, #tpu.memory_space<vmem>> -> memref<1x128xi32, #tpu.memory_space<vmem>>
        %dma_start3A_522 = tpu.memref_squeeze %dma_start3A_521 : memref<1x128xi32, #tpu.memory_space<vmem>> -> memref<128xi32, #tpu.memory_space<vmem>>
        %dma_start3A_523 = arith.constant 0 : i32
        %dma_start3A_524 = arith.constant 0 : i32
        %dma_start3A_525 = tpu.memref_slice %arg3[%dma_start3A_523, %dma_start3A_524] : memref<1000000x64xf32, #tpu.memory_space<hbm>> -> memref<1000000x64xf32, #tpu.memory_space<hbm>>
        %dma_start3A_526 = tpu.memref_slice %arg7[%dma_start3A_515] : memref<5x!tpu.dma_semaphore, #tpu.memory_space<semaphore_mem>> -> memref<1x!tpu.dma_semaphore, #tpu.memory_space<semaphore_mem>>
        %dma_start3A_527 = tpu.memref_squeeze %dma_start3A_526 : memref<1x!tpu.dma_semaphore, #tpu.memory_space<semaphore_mem>> -> memref<!tpu.dma_semaphore, #tpu.memory_space<semaphore_mem>>
        tpu.enqueue_indirect_dma source(%dma_start3A_525 : memref<1000000x64xf32, #tpu.memory_space<hbm>>) target(%dma_start3A_519 : memref<128x64xf32, #tpu.memory_space<vmem>>) offsets(%dma_start3A_522 : memref<128xi32, #tpu.memory_space<vmem>>) semaphore(%dma_start3A_527 : memref<!tpu.dma_semaphore, #tpu.memory_space<semaphore_mem>>)
      } else {
      }
      %dma_wait3A_204 = arith.constant 0 : i32
      %dma_wait3A_205 = arith.constant 0 : i32
      %dma_wait3A_206 = arith.constant 0 : i32
      %dma_wait3A_207 = arith.constant 0 : i32
      %dma_wait3A_208 = tpu.memref_slice %arg6[%dma_wait3A_204, %dma_wait3A_206, %dma_wait3A_207] : memref<5x256x64xf32, #tpu.memory_space<vmem>> -> memref<1x256x64xf32, #tpu.memory_space<vmem>>
      %dma_wait3A_209 = tpu.memref_squeeze %dma_wait3A_208 : memref<1x256x64xf32, #tpu.memory_space<vmem>> -> memref<256x64xf32, #tpu.memory_space<vmem>>
      %dma_wait3A_210 = arith.constant 0 : i32
      %dma_wait3A_211 = arith.constant 0 : i32
      %dma_wait3A_212 = tpu.memref_slice %arg3[%dma_wait3A_210, %dma_wait3A_211] : memref<1000000x64xf32, #tpu.memory_space<hbm>> -> memref<256x64xf32, #tpu.memory_space<hbm>>
      %dma_wait3A_213 = tpu.memref_slice %arg7[%dma_wait3A_205] : memref<5x!tpu.dma_semaphore, #tpu.memory_space<semaphore_mem>> -> memref<1x!tpu.dma_semaphore, #tpu.memory_space<semaphore_mem>>
      %dma_wait3A_214 = tpu.memref_squeeze %dma_wait3A_213 : memref<1x!tpu.dma_semaphore, #tpu.memory_space<semaphore_mem>> -> memref<!tpu.dma_semaphore, #tpu.memory_space<semaphore_mem>>
      %dma_wait3A_215 = arith.constant 0 : i32
      %dma_wait3A_216 = arith.constant 0 : i32
      %dma_wait3A_217 = tpu.memref_slice %arg6[%dma_wait3A_204, %dma_wait3A_215, %dma_wait3A_216] : memref<5x256x64xf32, #tpu.memory_space<vmem>> -> memref<1x256x64xf32, #tpu.memory_space<vmem>>
      %dma_wait3A_218 = tpu.memref_squeeze %dma_wait3A_217 : memref<1x256x64xf32, #tpu.memory_space<vmem>> -> memref<256x64xf32, #tpu.memory_space<vmem>>
      %dma_wait3A_219 = arith.constant 0 : i32
      %dma_wait3A_220 = arith.constant 0 : i32
      %dma_wait3A_221 = tpu.memref_slice %arg3[%dma_wait3A_219, %dma_wait3A_220] : memref<1000000x64xf32, #tpu.memory_space<hbm>> -> memref<256x64xf32, #tpu.memory_space<hbm>>
      tpu.wait_dma2 semaphore(%dma_wait3A_214 : memref<!tpu.dma_semaphore, #tpu.memory_space<semaphore_mem>>) src(%dma_wait3A_221 : memref<256x64xf32, #tpu.memory_space<hbm>>) dst(%dma_wait3A_218 : memref<256x64xf32, #tpu.memory_space<vmem>>)
      %scan3A_222 = arith.constant 0 : i32
      %scan3A_223 = arith.constant 0 : i32
      %scan3A_224 = arith.constant 256 : i32
      %scan3A_225 = arith.addi %scan3A_223, %scan3A_224 : i32
      %scan3A_226 = arith.constant 1 : i32
      scf.for %scan3A_492 = %scan3A_223 to %scan3A_225 step %scan3A_226  : i32 {
        %get3A = arith.constant 0 : i32
        %get3A_493 = arith.index_cast %get3A : i32 to index
        %get3A_494 = arith.index_cast %scan3A_492 : i32 to index
        %get3A_495 = arith.constant 0 : index
        %get3A_496 = tpu.vector_load %arg6[%get3A_493, %get3A_494, %get3A_495] {strides = array<i32>} : memref<5x256x64xf32, #tpu.memory_space<vmem>>, vector<1x1x16xf32>,
        %get3A_497 = vector.shape_cast %get3A_496 : vector<1x1x16xf32> to vector<16xf32>
        %mul3A_498 = arith.constant 8.000000e+00 : f32
        %mul3A_499 = vector.broadcast %mul3A_498 : f32 to vector<16xf32>
        %mul3A_500 = arith.mulf %get3A_497, %mul3A_499 : vector<16xf32>
        %swap3A = arith.constant 0 : i32
        %swap3A_501 = arith.index_cast %swap3A : i32 to index
        %swap3A_502 = arith.index_cast %scan3A_492 : i32 to index
        %swap3A_503 = arith.constant 0 : index
        %swap3A_504 = tpu.vector_load %arg6[%swap3A_501, %swap3A_502, %swap3A_503] {strides = array<i32>} : memref<5x256x64xf32, #tpu.memory_space<vmem>>, vector<1x1x16xf32>,
        %swap3A_505 = vector.shape_cast %swap3A_504 : vector<1x1x16xf32> to vector<16xf32>
        %swap3A_506 = vector.shape_cast %mul3A_500 : vector<16xf32> to vector<1x1x16xf32>
        tpu.vector_store %arg6[%swap3A_501, %swap3A_502, %swap3A_503], %swap3A_506 {strides = array<i32>} : memref<5x256x64xf32, #tpu.memory_space<vmem>>, vector<1x1x16xf32>,
        %get3A_507 = arith.constant 0 : i32
        %get3A_508 = arith.index_cast %get3A_507 : i32 to index
        %get3A_509 = arith.index_cast %scan3A_492 : i32 to index
        %get3A_510 = arith.constant 16 : index
        %get3A_511 = tpu.vector_load %arg6[%get3A_508, %get3A_509, %get3A_510] {strides = array<i32>} : memref<5x256x64xf32, #tpu.memory_space<vmem>>, vector<1x1x16xf32>,
        %get3A_512 = vector.shape_cast %get3A_511 : vector<1x1x16xf32> to vector<16xf32>
        %mul3A_513 = arith.constant 8.000000e+00 : f32
        %mul3A_514 = vector.broadcast %mul3A_513 : f32 to vector<16xf32>
        %mul3A_515 = arith.mulf %get3A_512, %mul3A_514 : vector<16xf32>
        %swap3A_516 = arith.constant 0 : i32
        %swap3A_517 = arith.index_cast %swap3A_516 : i32 to index
        %swap3A_518 = arith.index_cast %scan3A_492 : i32 to index
        %swap3A_519 = arith.constant 16 : index
        %swap3A_520 = tpu.vector_load %arg6[%swap3A_517, %swap3A_518, %swap3A_519] {strides = array<i32>} : memref<5x256x64xf32, #tpu.memory_space<vmem>>, vector<1x1x16xf32>,
        %swap3A_521 = vector.shape_cast %swap3A_520 : vector<1x1x16xf32> to vector<16xf32>
        %swap3A_522 = vector.shape_cast %mul3A_515 : vector<16xf32> to vector<1x1x16xf32>
        tpu.vector_store %arg6[%swap3A_517, %swap3A_518, %swap3A_519], %swap3A_522 {strides = array<i32>} : memref<5x256x64xf32, #tpu.memory_space<vmem>>, vector<1x1x16xf32>,
        %get3A_523 = arith.constant 0 : i32
        %get3A_524 = arith.index_cast %get3A_523 : i32 to index
        %get3A_525 = arith.index_cast %scan3A_492 : i32 to index
        %get3A_526 = arith.constant 32 : index
        %get3A_527 = tpu.vector_load %arg6[%get3A_524, %get3A_525, %get3A_526] {strides = array<i32>} : memref<5x256x64xf32, #tpu.memory_space<vmem>>, vector<1x1x16xf32>,
        %get3A_528 = vector.shape_cast %get3A_527 : vector<1x1x16xf32> to vector<16xf32>
        %mul3A_529 = arith.constant 8.000000e+00 : f32
        %mul3A_530 = vector.broadcast %mul3A_529 : f32 to vector<16xf32>
        %mul3A_531 = arith.mulf %get3A_528, %mul3A_530 : vector<16xf32>
        %swap3A_532 = arith.constant 0 : i32
        %swap3A_533 = arith.index_cast %swap3A_532 : i32 to index
        %swap3A_534 = arith.index_cast %scan3A_492 : i32 to index
        %swap3A_535 = arith.constant 32 : index
        %swap3A_536 = tpu.vector_load %arg6[%swap3A_533, %swap3A_534, %swap3A_535] {strides = array<i32>} : memref<5x256x64xf32, #tpu.memory_space<vmem>>, vector<1x1x16xf32>,
        %swap3A_537 = vector.shape_cast %swap3A_536 : vector<1x1x16xf32> to vector<16xf32>
        %swap3A_538 = vector.shape_cast %mul3A_531 : vector<16xf32> to vector<1x1x16xf32>
        tpu.vector_store %arg6[%swap3A_533, %swap3A_534, %swap3A_535], %swap3A_538 {strides = array<i32>} : memref<5x256x64xf32, #tpu.memory_space<vmem>>, vector<1x1x16xf32>,
        %get3A_539 = arith.constant 0 : i32
        %get3A_540 = arith.index_cast %get3A_539 : i32 to index
        %get3A_541 = arith.index_cast %scan3A_492 : i32 to index
        %get3A_542 = arith.constant 48 : index
        %get3A_543 = tpu.vector_load %arg6[%get3A_540, %get3A_541, %get3A_542] {strides = array<i32>} : memref<5x256x64xf32, #tpu.memory_space<vmem>>, vector<1x1x16xf32>,
        %get3A_544 = vector.shape_cast %get3A_543 : vector<1x1x16xf32> to vector<16xf32>
        %mul3A_545 = arith.constant 8.000000e+00 : f32
        %mul3A_546 = vector.broadcast %mul3A_545 : f32 to vector<16xf32>
        %mul3A_547 = arith.mulf %get3A_544, %mul3A_546 : vector<16xf32>
        %swap3A_548 = arith.constant 0 : i32
        %swap3A_549 = arith.index_cast %swap3A_548 : i32 to index
        %swap3A_550 = arith.index_cast %scan3A_492 : i32 to index
        %swap3A_551 = arith.constant 48 : index
        %swap3A_552 = tpu.vector_load %arg6[%swap3A_549, %swap3A_550, %swap3A_551] {strides = array<i32>} : memref<5x256x64xf32, #tpu.memory_space<vmem>>, vector<1x1x16xf32>,
        %swap3A_553 = vector.shape_cast %swap3A_552 : vector<1x1x16xf32> to vector<16xf32>
        %swap3A_554 = vector.shape_cast %mul3A_547 : vector<16xf32> to vector<1x1x16xf32>
        tpu.vector_store %arg6[%swap3A_549, %swap3A_550, %swap3A_551], %swap3A_554 {strides = array<i32>} : memref<5x256x64xf32, #tpu.memory_space<vmem>>, vector<1x1x16xf32>,
      }
      %scan3A_227 = arith.constant 256 : i32
      %mul3A_228 = arith.constant 256 : i32
      %mul3A_229 = arith.muli %add3A_193, %mul3A_228 : i32
      %add3A_230 = arith.addi %multiple_of3A, %mul3A_229 : i32
      %multiple_of3A_231 = tpu.assume_multiple %add3A_230, 8 : i32
      %dma_start3A_232 = arith.constant 0 : i32
      %dma_start3A_233 = arith.constant 0 : i32
      %dma_start3A_234 = arith.constant 0 : i32
      %dma_start3A_235 = arith.constant 0 : i32
      %dma_start3A_236 = tpu.memref_slice %arg6[%dma_start3A_232, %dma_start3A_234, %dma_start3A_235] : memref<5x256x64xf32, #tpu.memory_space<vmem>> -> memref<1x256x64xf32, #tpu.memory_space<vmem>>
      %dma_start3A_237 = tpu.memref_squeeze %dma_start3A_236 : memref<1x256x64xf32, #tpu.memory_space<vmem>> -> memref<256x64xf32, #tpu.memory_space<vmem>>
      %dma_start3A_238 = arith.constant 0 : i32
      %dma_start3A_239 = tpu.memref_slice %arg4[%multiple_of3A_231, %dma_start3A_238] : memref<819200x64xf32, #tpu.memory_space<hbm>> -> memref<256x64xf32, #tpu.memory_space<hbm>>
      %dma_start3A_240 = tpu.memref_slice %arg8[%dma_start3A_233] : memref<5x!tpu.dma_semaphore, #tpu.memory_space<semaphore_mem>> -> memref<1x!tpu.dma_semaphore, #tpu.memory_space<semaphore_mem>>
      %dma_start3A_241 = tpu.memref_squeeze %dma_start3A_240 : memref<1x!tpu.dma_semaphore, #tpu.memory_space<semaphore_mem>> -> memref<!tpu.dma_semaphore, #tpu.memory_space<semaphore_mem>>
      %dma_start3A_242 = arith.constant 0 : i32
      %dma_start3A_243 = tpu.memref_slice %arg4[%multiple_of3A_231, %dma_start3A_242] : memref<819200x64xf32, #tpu.memory_space<hbm>> -> memref<256x64xf32, #tpu.memory_space<hbm>>
      %dma_start3A_244 = arith.constant 0 : i32
      %dma_start3A_245 = arith.constant 0 : i32
      %dma_start3A_246 = tpu.memref_slice %arg6[%dma_start3A_232, %dma_start3A_244, %dma_start3A_245] : memref<5x256x64xf32, #tpu.memory_space<vmem>> -> memref<1x256x64xf32, #tpu.memory_space<vmem>>
      %dma_start3A_247 = tpu.memref_squeeze %dma_start3A_246 : memref<1x256x64xf32, #tpu.memory_space<vmem>> -> memref<256x64xf32, #tpu.memory_space<vmem>>
      tpu.enqueue_dma source(%dma_start3A_247 : memref<256x64xf32, #tpu.memory_space<vmem>>) target(%dma_start3A_243 : memref<256x64xf32, #tpu.memory_space<hbm>>) target_semaphore(%dma_start3A_241 : memref<!tpu.dma_semaphore, #tpu.memory_space<semaphore_mem>>)
      %add3A_248 = arith.constant 1 : i32
      %add3A_249 = arith.addi %mul3A_191, %add3A_248 : i32
      %add3A_250 = arith.constant 3 : i32
      %add3A_251 = arith.addi %add3A_249, %add3A_250 : i32
      %ge3A_252 = arith.constant 5 : i32
      %ge3A_253 = arith.cmpi sge, %add3A_251, %ge3A_252 : i32
      %lt3A_254 = arith.constant 100 : i32
      %lt3A_255 = arith.cmpi slt, %add3A_251, %lt3A_254 : i32
      %and3A_256 = arith.andi %ge3A_253, %lt3A_255 : i1
      %convert_element_type3A_257 = arith.extui %and3A_256 : i1 to i32
      %cond3A_258 = arith.constant 0 : i32
      %cond3A_259 = arith.cmpi ne, %convert_element_type3A_257, %cond3A_258 : i32
      scf.if %cond3A_259 {
        %dma_wait3A_492 = arith.constant 4 : i32
        %dma_wait3A_493 = arith.constant 4 : i32
        %dma_wait3A_494 = arith.constant 0 : i32
        %dma_wait3A_495 = arith.constant 0 : i32
        %dma_wait3A_496 = tpu.memref_slice %arg6[%dma_wait3A_492, %dma_wait3A_494, %dma_wait3A_495] : memref<5x256x64xf32, #tpu.memory_space<vmem>> -> memref<1x256x64xf32, #tpu.memory_space<vmem>>
        %dma_wait3A_497 = tpu.memref_squeeze %dma_wait3A_496 : memref<1x256x64xf32, #tpu.memory_space<vmem>> -> memref<256x64xf32, #tpu.memory_space<vmem>>
        %dma_wait3A_498 = arith.constant 0 : i32
        %dma_wait3A_499 = arith.constant 0 : i32
        %dma_wait3A_500 = tpu.memref_slice %arg4[%dma_wait3A_498, %dma_wait3A_499] : memref<819200x64xf32, #tpu.memory_space<hbm>> -> memref<256x64xf32, #tpu.memory_space<hbm>>
        %dma_wait3A_501 = tpu.memref_slice %arg8[%dma_wait3A_493] : memref<5x!tpu.dma_semaphore, #tpu.memory_space<semaphore_mem>> -> memref<1x!tpu.dma_semaphore, #tpu.memory_space<semaphore_mem>>
        %dma_wait3A_502 = tpu.memref_squeeze %dma_wait3A_501 : memref<1x!tpu.dma_semaphore, #tpu.memory_space<semaphore_mem>> -> memref<!tpu.dma_semaphore, #tpu.memory_space<semaphore_mem>>
        %dma_wait3A_503 = arith.constant 0 : i32
        %dma_wait3A_504 = arith.constant 0 : i32
        %dma_wait3A_505 = tpu.memref_slice %arg4[%dma_wait3A_503, %dma_wait3A_504] : memref<819200x64xf32, #tpu.memory_space<hbm>> -> memref<256x64xf32, #tpu.memory_space<hbm>>
        %dma_wait3A_506 = arith.constant 0 : i32
        %dma_wait3A_507 = arith.constant 0 : i32
        %dma_wait3A_508 = tpu.memref_slice %arg6[%dma_wait3A_492, %dma_wait3A_506, %dma_wait3A_507] : memref<5x256x64xf32, #tpu.memory_space<vmem>> -> memref<1x256x64xf32, #tpu.memory_space<vmem>>
        %dma_wait3A_509 = tpu.memref_squeeze %dma_wait3A_508 : memref<1x256x64xf32, #tpu.memory_space<vmem>> -> memref<256x64xf32, #tpu.memory_space<vmem>>
        tpu.wait_dma2 semaphore(%dma_wait3A_502 : memref<!tpu.dma_semaphore, #tpu.memory_space<semaphore_mem>>) src(%dma_wait3A_509 : memref<256x64xf32, #tpu.memory_space<vmem>>) dst(%dma_wait3A_505 : memref<256x64xf32, #tpu.memory_space<hbm>>)
      } else {
      }
      %lt3A_260 = arith.constant 100 : i32
      %lt3A_261 = arith.cmpi slt, %add3A_251, %lt3A_260 : i32
      %convert_element_type3A_262 = arith.extui %lt3A_261 : i1 to i32
      %cond3A_263 = arith.constant 0 : i32
      %cond3A_264 = arith.cmpi ne, %convert_element_type3A_262, %cond3A_263 : i32
      scf.if %cond3A_264 {
        %mul3A_492 = arith.constant 2 : i32
        %mul3A_493 = arith.muli %add3A_251, %mul3A_492 : i32
        %add3A_494 = arith.constant 0 : i32
        %add3A_495 = arith.addi %mul3A_493, %add3A_494 : i32
        %dma_start3A_496 = arith.constant 4 : i32
        %dma_start3A_497 = arith.constant 4 : i32
        %dma_start3A_498 = arith.constant 0 : i32
        %dma_start3A_499 = arith.constant 0 : i32
        %dma_start3A_500 = tpu.memref_slice %arg6[%dma_start3A_496, %dma_start3A_498, %dma_start3A_499] : memref<5x256x64xf32, #tpu.memory_space<vmem>> -> memref<1x128x64xf32, #tpu.memory_space<vmem>>
        %dma_start3A_501 = tpu.memref_squeeze %dma_start3A_500 : memref<1x128x64xf32, #tpu.memory_space<vmem>> -> memref<128x64xf32, #tpu.memory_space<vmem>>
        %dma_start3A_502 = arith.constant 0 : i32
        %dma_start3A_503 = tpu.memref_slice %arg5[%add3A_495, %dma_start3A_502] : memref<200x128xi32, #tpu.memory_space<vmem>> -> memref<1x128xi32, #tpu.memory_space<vmem>>
        %dma_start3A_504 = tpu.memref_squeeze %dma_start3A_503 : memref<1x128xi32, #tpu.memory_space<vmem>> -> memref<128xi32, #tpu.memory_space<vmem>>
        %dma_start3A_505 = arith.constant 0 : i32
        %dma_start3A_506 = arith.constant 0 : i32
        %dma_start3A_507 = tpu.memref_slice %arg3[%dma_start3A_505, %dma_start3A_506] : memref<1000000x64xf32, #tpu.memory_space<hbm>> -> memref<1000000x64xf32, #tpu.memory_space<hbm>>
        %dma_start3A_508 = tpu.memref_slice %arg7[%dma_start3A_497] : memref<5x!tpu.dma_semaphore, #tpu.memory_space<semaphore_mem>> -> memref<1x!tpu.dma_semaphore, #tpu.memory_space<semaphore_mem>>
        %dma_start3A_509 = tpu.memref_squeeze %dma_start3A_508 : memref<1x!tpu.dma_semaphore, #tpu.memory_space<semaphore_mem>> -> memref<!tpu.dma_semaphore, #tpu.memory_space<semaphore_mem>>
        tpu.enqueue_indirect_dma source(%dma_start3A_507 : memref<1000000x64xf32, #tpu.memory_space<hbm>>) target(%dma_start3A_501 : memref<128x64xf32, #tpu.memory_space<vmem>>) offsets(%dma_start3A_504 : memref<128xi32, #tpu.memory_space<vmem>>) semaphore(%dma_start3A_509 : memref<!tpu.dma_semaphore, #tpu.memory_space<semaphore_mem>>)
        %mul3A_510 = arith.constant 2 : i32
        %mul3A_511 = arith.muli %add3A_251, %mul3A_510 : i32
        %add3A_512 = arith.constant 1 : i32
        %add3A_513 = arith.addi %mul3A_511, %add3A_512 : i32
        %dma_start3A_514 = arith.constant 4 : i32
        %dma_start3A_515 = arith.constant 4 : i32
        %dma_start3A_516 = arith.constant 128 : i32
        %dma_start3A_517 = arith.constant 0 : i32
        %dma_start3A_518 = tpu.memref_slice %arg6[%dma_start3A_514, %dma_start3A_516, %dma_start3A_517] : memref<5x256x64xf32, #tpu.memory_space<vmem>> -> memref<1x128x64xf32, #tpu.memory_space<vmem>>
        %dma_start3A_519 = tpu.memref_squeeze %dma_start3A_518 : memref<1x128x64xf32, #tpu.memory_space<vmem>> -> memref<128x64xf32, #tpu.memory_space<vmem>>
        %dma_start3A_520 = arith.constant 0 : i32
        %dma_start3A_521 = tpu.memref_slice %arg5[%add3A_513, %dma_start3A_520] : memref<200x128xi32, #tpu.memory_space<vmem>> -> memref<1x128xi32, #tpu.memory_space<vmem>>
        %dma_start3A_522 = tpu.memref_squeeze %dma_start3A_521 : memref<1x128xi32, #tpu.memory_space<vmem>> -> memref<128xi32, #tpu.memory_space<vmem>>
        %dma_start3A_523 = arith.constant 0 : i32
        %dma_start3A_524 = arith.constant 0 : i32
        %dma_start3A_525 = tpu.memref_slice %arg3[%dma_start3A_523, %dma_start3A_524] : memref<1000000x64xf32, #tpu.memory_space<hbm>> -> memref<1000000x64xf32, #tpu.memory_space<hbm>>
        %dma_start3A_526 = tpu.memref_slice %arg7[%dma_start3A_515] : memref<5x!tpu.dma_semaphore, #tpu.memory_space<semaphore_mem>> -> memref<1x!tpu.dma_semaphore, #tpu.memory_space<semaphore_mem>>
        %dma_start3A_527 = tpu.memref_squeeze %dma_start3A_526 : memref<1x!tpu.dma_semaphore, #tpu.memory_space<semaphore_mem>> -> memref<!tpu.dma_semaphore, #tpu.memory_space<semaphore_mem>>
        tpu.enqueue_indirect_dma source(%dma_start3A_525 : memref<1000000x64xf32, #tpu.memory_space<hbm>>) target(%dma_start3A_519 : memref<128x64xf32, #tpu.memory_space<vmem>>) offsets(%dma_start3A_522 : memref<128xi32, #tpu.memory_space<vmem>>) semaphore(%dma_start3A_527 : memref<!tpu.dma_semaphore, #tpu.memory_space<semaphore_mem>>)
      } else {
      }
      %dma_wait3A_265 = arith.constant 1 : i32
      %dma_wait3A_266 = arith.constant 1 : i32
      %dma_wait3A_267 = arith.constant 0 : i32
      %dma_wait3A_268 = arith.constant 0 : i32
      %dma_wait3A_269 = tpu.memref_slice %arg6[%dma_wait3A_265, %dma_wait3A_267, %dma_wait3A_268] : memref<5x256x64xf32, #tpu.memory_space<vmem>> -> memref<1x256x64xf32, #tpu.memory_space<vmem>>
      %dma_wait3A_270 = tpu.memref_squeeze %dma_wait3A_269 : memref<1x256x64xf32, #tpu.memory_space<vmem>> -> memref<256x64xf32, #tpu.memory_space<vmem>>
      %dma_wait3A_271 = arith.constant 0 : i32
      %dma_wait3A_272 = arith.constant 0 : i32
      %dma_wait3A_273 = tpu.memref_slice %arg3[%dma_wait3A_271, %dma_wait3A_272] : memref<1000000x64xf32, #tpu.memory_space<hbm>> -> memref<256x64xf32, #tpu.memory_space<hbm>>
      %dma_wait3A_274 = tpu.memref_slice %arg7[%dma_wait3A_266] : memref<5x!tpu.dma_semaphore, #tpu.memory_space<semaphore_mem>> -> memref<1x!tpu.dma_semaphore, #tpu.memory_space<semaphore_mem>>
      %dma_wait3A_275 = tpu.memref_squeeze %dma_wait3A_274 : memref<1x!tpu.dma_semaphore, #tpu.memory_space<semaphore_mem>> -> memref<!tpu.dma_semaphore, #tpu.memory_space<semaphore_mem>>
      %dma_wait3A_276 = arith.constant 0 : i32
      %dma_wait3A_277 = arith.constant 0 : i32
      %dma_wait3A_278 = tpu.memref_slice %arg6[%dma_wait3A_265, %dma_wait3A_276, %dma_wait3A_277] : memref<5x256x64xf32, #tpu.memory_space<vmem>> -> memref<1x256x64xf32, #tpu.memory_space<vmem>>
      %dma_wait3A_279 = tpu.memref_squeeze %dma_wait3A_278 : memref<1x256x64xf32, #tpu.memory_space<vmem>> -> memref<256x64xf32, #tpu.memory_space<vmem>>
      %dma_wait3A_280 = arith.constant 0 : i32
      %dma_wait3A_281 = arith.constant 0 : i32
      %dma_wait3A_282 = tpu.memref_slice %arg3[%dma_wait3A_280, %dma_wait3A_281] : memref<1000000x64xf32, #tpu.memory_space<hbm>> -> memref<256x64xf32, #tpu.memory_space<hbm>>
      tpu.wait_dma2 semaphore(%dma_wait3A_275 : memref<!tpu.dma_semaphore, #tpu.memory_space<semaphore_mem>>) src(%dma_wait3A_282 : memref<256x64xf32, #tpu.memory_space<hbm>>) dst(%dma_wait3A_279 : memref<256x64xf32, #tpu.memory_space<vmem>>)
      %scan3A_283 = arith.constant 0 : i32
      %scan3A_284 = arith.constant 0 : i32
      %scan3A_285 = arith.constant 256 : i32
      %scan3A_286 = arith.addi %scan3A_284, %scan3A_285 : i32
      %scan3A_287 = arith.constant 1 : i32
      scf.for %scan3A_492 = %scan3A_284 to %scan3A_286 step %scan3A_287  : i32 {
        %get3A = arith.constant 1 : i32
        %get3A_493 = arith.index_cast %get3A : i32 to index
        %get3A_494 = arith.index_cast %scan3A_492 : i32 to index
        %get3A_495 = arith.constant 0 : index
        %get3A_496 = tpu.vector_load %arg6[%get3A_493, %get3A_494, %get3A_495] {strides = array<i32>} : memref<5x256x64xf32, #tpu.memory_space<vmem>>, vector<1x1x16xf32>,
        %get3A_497 = vector.shape_cast %get3A_496 : vector<1x1x16xf32> to vector<16xf32>
        %mul3A_498 = arith.constant 8.000000e+00 : f32
        %mul3A_499 = vector.broadcast %mul3A_498 : f32 to vector<16xf32>
        %mul3A_500 = arith.mulf %get3A_497, %mul3A_499 : vector<16xf32>
        %swap3A = arith.constant 1 : i32
        %swap3A_501 = arith.index_cast %swap3A : i32 to index
        %swap3A_502 = arith.index_cast %scan3A_492 : i32 to index
        %swap3A_503 = arith.constant 0 : index
        %swap3A_504 = tpu.vector_load %arg6[%swap3A_501, %swap3A_502, %swap3A_503] {strides = array<i32>} : memref<5x256x64xf32, #tpu.memory_space<vmem>>, vector<1x1x16xf32>,
        %swap3A_505 = vector.shape_cast %swap3A_504 : vector<1x1x16xf32> to vector<16xf32>
        %swap3A_506 = vector.shape_cast %mul3A_500 : vector<16xf32> to vector<1x1x16xf32>
        tpu.vector_store %arg6[%swap3A_501, %swap3A_502, %swap3A_503], %swap3A_506 {strides = array<i32>} : memref<5x256x64xf32, #tpu.memory_space<vmem>>, vector<1x1x16xf32>,
        %get3A_507 = arith.constant 1 : i32
        %get3A_508 = arith.index_cast %get3A_507 : i32 to index
        %get3A_509 = arith.index_cast %scan3A_492 : i32 to index
        %get3A_510 = arith.constant 16 : index
        %get3A_511 = tpu.vector_load %arg6[%get3A_508, %get3A_509, %get3A_510] {strides = array<i32>} : memref<5x256x64xf32, #tpu.memory_space<vmem>>, vector<1x1x16xf32>,
        %get3A_512 = vector.shape_cast %get3A_511 : vector<1x1x16xf32> to vector<16xf32>
        %mul3A_513 = arith.constant 8.000000e+00 : f32
        %mul3A_514 = vector.broadcast %mul3A_513 : f32 to vector<16xf32>
        %mul3A_515 = arith.mulf %get3A_512, %mul3A_514 : vector<16xf32>
        %swap3A_516 = arith.constant 1 : i32
        %swap3A_517 = arith.index_cast %swap3A_516 : i32 to index
        %swap3A_518 = arith.index_cast %scan3A_492 : i32 to index
        %swap3A_519 = arith.constant 16 : index
        %swap3A_520 = tpu.vector_load %arg6[%swap3A_517, %swap3A_518, %swap3A_519] {strides = array<i32>} : memref<5x256x64xf32, #tpu.memory_space<vmem>>, vector<1x1x16xf32>,
        %swap3A_521 = vector.shape_cast %swap3A_520 : vector<1x1x16xf32> to vector<16xf32>
        %swap3A_522 = vector.shape_cast %mul3A_515 : vector<16xf32> to vector<1x1x16xf32>
        tpu.vector_store %arg6[%swap3A_517, %swap3A_518, %swap3A_519], %swap3A_522 {strides = array<i32>} : memref<5x256x64xf32, #tpu.memory_space<vmem>>, vector<1x1x16xf32>,
        %get3A_523 = arith.constant 1 : i32
        %get3A_524 = arith.index_cast %get3A_523 : i32 to index
        %get3A_525 = arith.index_cast %scan3A_492 : i32 to index
        %get3A_526 = arith.constant 32 : index
        %get3A_527 = tpu.vector_load %arg6[%get3A_524, %get3A_525, %get3A_526] {strides = array<i32>} : memref<5x256x64xf32, #tpu.memory_space<vmem>>, vector<1x1x16xf32>,
        %get3A_528 = vector.shape_cast %get3A_527 : vector<1x1x16xf32> to vector<16xf32>
        %mul3A_529 = arith.constant 8.000000e+00 : f32
        %mul3A_530 = vector.broadcast %mul3A_529 : f32 to vector<16xf32>
        %mul3A_531 = arith.mulf %get3A_528, %mul3A_530 : vector<16xf32>
        %swap3A_532 = arith.constant 1 : i32
        %swap3A_533 = arith.index_cast %swap3A_532 : i32 to index
        %swap3A_534 = arith.index_cast %scan3A_492 : i32 to index
        %swap3A_535 = arith.constant 32 : index
        %swap3A_536 = tpu.vector_load %arg6[%swap3A_533, %swap3A_534, %swap3A_535] {strides = array<i32>} : memref<5x256x64xf32, #tpu.memory_space<vmem>>, vector<1x1x16xf32>,
        %swap3A_537 = vector.shape_cast %swap3A_536 : vector<1x1x16xf32> to vector<16xf32>
        %swap3A_538 = vector.shape_cast %mul3A_531 : vector<16xf32> to vector<1x1x16xf32>
        tpu.vector_store %arg6[%swap3A_533, %swap3A_534, %swap3A_535], %swap3A_538 {strides = array<i32>} : memref<5x256x64xf32, #tpu.memory_space<vmem>>, vector<1x1x16xf32>,
        %get3A_539 = arith.constant 1 : i32
        %get3A_540 = arith.index_cast %get3A_539 : i32 to index
        %get3A_541 = arith.index_cast %scan3A_492 : i32 to index
        %get3A_542 = arith.constant 48 : index
        %get3A_543 = tpu.vector_load %arg6[%get3A_540, %get3A_541, %get3A_542] {strides = array<i32>} : memref<5x256x64xf32, #tpu.memory_space<vmem>>, vector<1x1x16xf32>,
        %get3A_544 = vector.shape_cast %get3A_543 : vector<1x1x16xf32> to vector<16xf32>
        %mul3A_545 = arith.constant 8.000000e+00 : f32
        %mul3A_546 = vector.broadcast %mul3A_545 : f32 to vector<16xf32>
        %mul3A_547 = arith.mulf %get3A_544, %mul3A_546 : vector<16xf32>
        %swap3A_548 = arith.constant 1 : i32
        %swap3A_549 = arith.index_cast %swap3A_548 : i32 to index
        %swap3A_550 = arith.index_cast %scan3A_492 : i32 to index
        %swap3A_551 = arith.constant 48 : index
        %swap3A_552 = tpu.vector_load %arg6[%swap3A_549, %swap3A_550, %swap3A_551] {strides = array<i32>} : memref<5x256x64xf32, #tpu.memory_space<vmem>>, vector<1x1x16xf32>,
        %swap3A_553 = vector.shape_cast %swap3A_552 : vector<1x1x16xf32> to vector<16xf32>
        %swap3A_554 = vector.shape_cast %mul3A_547 : vector<16xf32> to vector<1x1x16xf32>
        tpu.vector_store %arg6[%swap3A_549, %swap3A_550, %swap3A_551], %swap3A_554 {strides = array<i32>} : memref<5x256x64xf32, #tpu.memory_space<vmem>>, vector<1x1x16xf32>,
      }
      %scan3A_288 = arith.constant 256 : i32
      %mul3A_289 = arith.constant 256 : i32
      %mul3A_290 = arith.muli %add3A_249, %mul3A_289 : i32
      %add3A_291 = arith.addi %multiple_of3A, %mul3A_290 : i32
      %multiple_of3A_292 = tpu.assume_multiple %add3A_291, 8 : i32
      %dma_start3A_293 = arith.constant 1 : i32
      %dma_start3A_294 = arith.constant 1 : i32
      %dma_start3A_295 = arith.constant 0 : i32
      %dma_start3A_296 = arith.constant 0 : i32
      %dma_start3A_297 = tpu.memref_slice %arg6[%dma_start3A_293, %dma_start3A_295, %dma_start3A_296] : memref<5x256x64xf32, #tpu.memory_space<vmem>> -> memref<1x256x64xf32, #tpu.memory_space<vmem>>
      %dma_start3A_298 = tpu.memref_squeeze %dma_start3A_297 : memref<1x256x64xf32, #tpu.memory_space<vmem>> -> memref<256x64xf32, #tpu.memory_space<vmem>>
      %dma_start3A_299 = arith.constant 0 : i32
      %dma_start3A_300 = tpu.memref_slice %arg4[%multiple_of3A_292, %dma_start3A_299] : memref<819200x64xf32, #tpu.memory_space<hbm>> -> memref<256x64xf32, #tpu.memory_space<hbm>>
      %dma_start3A_301 = tpu.memref_slice %arg8[%dma_start3A_294] : memref<5x!tpu.dma_semaphore, #tpu.memory_space<semaphore_mem>> -> memref<1x!tpu.dma_semaphore, #tpu.memory_space<semaphore_mem>>
      %dma_start3A_302 = tpu.memref_squeeze %dma_start3A_301 : memref<1x!tpu.dma_semaphore, #tpu.memory_space<semaphore_mem>> -> memref<!tpu.dma_semaphore, #tpu.memory_space<semaphore_mem>>
      %dma_start3A_303 = arith.constant 0 : i32
      %dma_start3A_304 = tpu.memref_slice %arg4[%multiple_of3A_292, %dma_start3A_303] : memref<819200x64xf32, #tpu.memory_space<hbm>> -> memref<256x64xf32, #tpu.memory_space<hbm>>
      %dma_start3A_305 = arith.constant 0 : i32
      %dma_start3A_306 = arith.constant 0 : i32
      %dma_start3A_307 = tpu.memref_slice %arg6[%dma_start3A_293, %dma_start3A_305, %dma_start3A_306] : memref<5x256x64xf32, #tpu.memory_space<vmem>> -> memref<1x256x64xf32, #tpu.memory_space<vmem>>
      %dma_start3A_308 = tpu.memref_squeeze %dma_start3A_307 : memref<1x256x64xf32, #tpu.memory_space<vmem>> -> memref<256x64xf32, #tpu.memory_space<vmem>>
      tpu.enqueue_dma source(%dma_start3A_308 : memref<256x64xf32, #tpu.memory_space<vmem>>) target(%dma_start3A_304 : memref<256x64xf32, #tpu.memory_space<hbm>>) target_semaphore(%dma_start3A_302 : memref<!tpu.dma_semaphore, #tpu.memory_space<semaphore_mem>>)
      %add3A_309 = arith.constant 2 : i32
      %add3A_310 = arith.addi %mul3A_191, %add3A_309 : i32
      %add3A_311 = arith.constant 3 : i32
      %add3A_312 = arith.addi %add3A_310, %add3A_311 : i32
      %ge3A_313 = arith.constant 5 : i32
      %ge3A_314 = arith.cmpi sge, %add3A_312, %ge3A_313 : i32
      %lt3A_315 = arith.constant 100 : i32
      %lt3A_316 = arith.cmpi slt, %add3A_312, %lt3A_315 : i32
      %and3A_317 = arith.andi %ge3A_314, %lt3A_316 : i1
      %convert_element_type3A_318 = arith.extui %and3A_317 : i1 to i32
      %cond3A_319 = arith.constant 0 : i32
      %cond3A_320 = arith.cmpi ne, %convert_element_type3A_318, %cond3A_319 : i32
      scf.if %cond3A_320 {
        %dma_wait3A_492 = arith.constant 0 : i32
        %dma_wait3A_493 = arith.constant 0 : i32
        %dma_wait3A_494 = arith.constant 0 : i32
        %dma_wait3A_495 = arith.constant 0 : i32
        %dma_wait3A_496 = tpu.memref_slice %arg6[%dma_wait3A_492, %dma_wait3A_494, %dma_wait3A_495] : memref<5x256x64xf32, #tpu.memory_space<vmem>> -> memref<1x256x64xf32, #tpu.memory_space<vmem>>
        %dma_wait3A_497 = tpu.memref_squeeze %dma_wait3A_496 : memref<1x256x64xf32, #tpu.memory_space<vmem>> -> memref<256x64xf32, #tpu.memory_space<vmem>>
        %dma_wait3A_498 = arith.constant 0 : i32
        %dma_wait3A_499 = arith.constant 0 : i32
        %dma_wait3A_500 = tpu.memref_slice %arg4[%dma_wait3A_498, %dma_wait3A_499] : memref<819200x64xf32, #tpu.memory_space<hbm>> -> memref<256x64xf32, #tpu.memory_space<hbm>>
        %dma_wait3A_501 = tpu.memref_slice %arg8[%dma_wait3A_493] : memref<5x!tpu.dma_semaphore, #tpu.memory_space<semaphore_mem>> -> memref<1x!tpu.dma_semaphore, #tpu.memory_space<semaphore_mem>>
        %dma_wait3A_502 = tpu.memref_squeeze %dma_wait3A_501 : memref<1x!tpu.dma_semaphore, #tpu.memory_space<semaphore_mem>> -> memref<!tpu.dma_semaphore, #tpu.memory_space<semaphore_mem>>
        %dma_wait3A_503 = arith.constant 0 : i32
        %dma_wait3A_504 = arith.constant 0 : i32
        %dma_wait3A_505 = tpu.memref_slice %arg4[%dma_wait3A_503, %dma_wait3A_504] : memref<819200x64xf32, #tpu.memory_space<hbm>> -> memref<256x64xf32, #tpu.memory_space<hbm>>
        %dma_wait3A_506 = arith.constant 0 : i32
        %dma_wait3A_507 = arith.constant 0 : i32
        %dma_wait3A_508 = tpu.memref_slice %arg6[%dma_wait3A_492, %dma_wait3A_506, %dma_wait3A_507] : memref<5x256x64xf32, #tpu.memory_space<vmem>> -> memref<1x256x64xf32, #tpu.memory_space<vmem>>
        %dma_wait3A_509 = tpu.memref_squeeze %dma_wait3A_508 : memref<1x256x64xf32, #tpu.memory_space<vmem>> -> memref<256x64xf32, #tpu.memory_space<vmem>>
        tpu.wait_dma2 semaphore(%dma_wait3A_502 : memref<!tpu.dma_semaphore, #tpu.memory_space<semaphore_mem>>) src(%dma_wait3A_509 : memref<256x64xf32, #tpu.memory_space<vmem>>) dst(%dma_wait3A_505 : memref<256x64xf32, #tpu.memory_space<hbm>>)
      } else {
      }
      %lt3A_321 = arith.constant 100 : i32
      %lt3A_322 = arith.cmpi slt, %add3A_312, %lt3A_321 : i32
      %convert_element_type3A_323 = arith.extui %lt3A_322 : i1 to i32
      %cond3A_324 = arith.constant 0 : i32
      %cond3A_325 = arith.cmpi ne, %convert_element_type3A_323, %cond3A_324 : i32
      scf.if %cond3A_325 {
        %mul3A_492 = arith.constant 2 : i32
        %mul3A_493 = arith.muli %add3A_312, %mul3A_492 : i32
        %add3A_494 = arith.constant 0 : i32
        %add3A_495 = arith.addi %mul3A_493, %add3A_494 : i32
        %dma_start3A_496 = arith.constant 0 : i32
        %dma_start3A_497 = arith.constant 0 : i32
        %dma_start3A_498 = arith.constant 0 : i32
        %dma_start3A_499 = arith.constant 0 : i32
        %dma_start3A_500 = tpu.memref_slice %arg6[%dma_start3A_496, %dma_start3A_498, %dma_start3A_499] : memref<5x256x64xf32, #tpu.memory_space<vmem>> -> memref<1x128x64xf32, #tpu.memory_space<vmem>>
        %dma_start3A_501 = tpu.memref_squeeze %dma_start3A_500 : memref<1x128x64xf32, #tpu.memory_space<vmem>> -> memref<128x64xf32, #tpu.memory_space<vmem>>
        %dma_start3A_502 = arith.constant 0 : i32
        %dma_start3A_503 = tpu.memref_slice %arg5[%add3A_495, %dma_start3A_502] : memref<200x128xi32, #tpu.memory_space<vmem>> -> memref<1x128xi32, #tpu.memory_space<vmem>>
        %dma_start3A_504 = tpu.memref_squeeze %dma_start3A_503 : memref<1x128xi32, #tpu.memory_space<vmem>> -> memref<128xi32, #tpu.memory_space<vmem>>
        %dma_start3A_505 = arith.constant 0 : i32
        %dma_start3A_506 = arith.constant 0 : i32
        %dma_start3A_507 = tpu.memref_slice %arg3[%dma_start3A_505, %dma_start3A_506] : memref<1000000x64xf32, #tpu.memory_space<hbm>> -> memref<1000000x64xf32, #tpu.memory_space<hbm>>
        %dma_start3A_508 = tpu.memref_slice %arg7[%dma_start3A_497] : memref<5x!tpu.dma_semaphore, #tpu.memory_space<semaphore_mem>> -> memref<1x!tpu.dma_semaphore, #tpu.memory_space<semaphore_mem>>
        %dma_start3A_509 = tpu.memref_squeeze %dma_start3A_508 : memref<1x!tpu.dma_semaphore, #tpu.memory_space<semaphore_mem>> -> memref<!tpu.dma_semaphore, #tpu.memory_space<semaphore_mem>>
        tpu.enqueue_indirect_dma source(%dma_start3A_507 : memref<1000000x64xf32, #tpu.memory_space<hbm>>) target(%dma_start3A_501 : memref<128x64xf32, #tpu.memory_space<vmem>>) offsets(%dma_start3A_504 : memref<128xi32, #tpu.memory_space<vmem>>) semaphore(%dma_start3A_509 : memref<!tpu.dma_semaphore, #tpu.memory_space<semaphore_mem>>)
        %mul3A_510 = arith.constant 2 : i32
        %mul3A_511 = arith.muli %add3A_312, %mul3A_510 : i32
        %add3A_512 = arith.constant 1 : i32
        %add3A_513 = arith.addi %mul3A_511, %add3A_512 : i32
        %dma_start3A_514 = arith.constant 0 : i32
        %dma_start3A_515 = arith.constant 0 : i32
        %dma_start3A_516 = arith.constant 128 : i32
        %dma_start3A_517 = arith.constant 0 : i32
        %dma_start3A_518 = tpu.memref_slice %arg6[%dma_start3A_514, %dma_start3A_516, %dma_start3A_517] : memref<5x256x64xf32, #tpu.memory_space<vmem>> -> memref<1x128x64xf32, #tpu.memory_space<vmem>>
        %dma_start3A_519 = tpu.memref_squeeze %dma_start3A_518 : memref<1x128x64xf32, #tpu.memory_space<vmem>> -> memref<128x64xf32, #tpu.memory_space<vmem>>
        %dma_start3A_520 = arith.constant 0 : i32
        %dma_start3A_521 = tpu.memref_slice %arg5[%add3A_513, %dma_start3A_520] : memref<200x128xi32, #tpu.memory_space<vmem>> -> memref<1x128xi32, #tpu.memory_space<vmem>>
        %dma_start3A_522 = tpu.memref_squeeze %dma_start3A_521 : memref<1x128xi32, #tpu.memory_space<vmem>> -> memref<128xi32, #tpu.memory_space<vmem>>
        %dma_start3A_523 = arith.constant 0 : i32
        %dma_start3A_524 = arith.constant 0 : i32
        %dma_start3A_525 = tpu.memref_slice %arg3[%dma_start3A_523, %dma_start3A_524] : memref<1000000x64xf32, #tpu.memory_space<hbm>> -> memref<1000000x64xf32, #tpu.memory_space<hbm>>
        %dma_start3A_526 = tpu.memref_slice %arg7[%dma_start3A_515] : memref<5x!tpu.dma_semaphore, #tpu.memory_space<semaphore_mem>> -> memref<1x!tpu.dma_semaphore, #tpu.memory_space<semaphore_mem>>
        %dma_start3A_527 = tpu.memref_squeeze %dma_start3A_526 : memref<1x!tpu.dma_semaphore, #tpu.memory_space<semaphore_mem>> -> memref<!tpu.dma_semaphore, #tpu.memory_space<semaphore_mem>>
        tpu.enqueue_indirect_dma source(%dma_start3A_525 : memref<1000000x64xf32, #tpu.memory_space<hbm>>) target(%dma_start3A_519 : memref<128x64xf32, #tpu.memory_space<vmem>>) offsets(%dma_start3A_522 : memref<128xi32, #tpu.memory_space<vmem>>) semaphore(%dma_start3A_527 : memref<!tpu.dma_semaphore, #tpu.memory_space<semaphore_mem>>)
      } else {
      }
      %dma_wait3A_326 = arith.constant 2 : i32
      %dma_wait3A_327 = arith.constant 2 : i32
      %dma_wait3A_328 = arith.constant 0 : i32
      %dma_wait3A_329 = arith.constant 0 : i32
      %dma_wait3A_330 = tpu.memref_slice %arg6[%dma_wait3A_326, %dma_wait3A_328, %dma_wait3A_329] : memref<5x256x64xf32, #tpu.memory_space<vmem>> -> memref<1x256x64xf32, #tpu.memory_space<vmem>>
      %dma_wait3A_331 = tpu.memref_squeeze %dma_wait3A_330 : memref<1x256x64xf32, #tpu.memory_space<vmem>> -> memref<256x64xf32, #tpu.memory_space<vmem>>
      %dma_wait3A_332 = arith.constant 0 : i32
      %dma_wait3A_333 = arith.constant 0 : i32
      %dma_wait3A_334 = tpu.memref_slice %arg3[%dma_wait3A_332, %dma_wait3A_333] : memref<1000000x64xf32, #tpu.memory_space<hbm>> -> memref<256x64xf32, #tpu.memory_space<hbm>>
      %dma_wait3A_335 = tpu.memref_slice %arg7[%dma_wait3A_327] : memref<5x!tpu.dma_semaphore, #tpu.memory_space<semaphore_mem>> -> memref<1x!tpu.dma_semaphore, #tpu.memory_space<semaphore_mem>>
      %dma_wait3A_336 = tpu.memref_squeeze %dma_wait3A_335 : memref<1x!tpu.dma_semaphore, #tpu.memory_space<semaphore_mem>> -> memref<!tpu.dma_semaphore, #tpu.memory_space<semaphore_mem>>
      %dma_wait3A_337 = arith.constant 0 : i32
      %dma_wait3A_338 = arith.constant 0 : i32
      %dma_wait3A_339 = tpu.memref_slice %arg6[%dma_wait3A_326, %dma_wait3A_337, %dma_wait3A_338] : memref<5x256x64xf32, #tpu.memory_space<vmem>> -> memref<1x256x64xf32, #tpu.memory_space<vmem>>
      %dma_wait3A_340 = tpu.memref_squeeze %dma_wait3A_339 : memref<1x256x64xf32, #tpu.memory_space<vmem>> -> memref<256x64xf32, #tpu.memory_space<vmem>>
      %dma_wait3A_341 = arith.constant 0 : i32
      %dma_wait3A_342 = arith.constant 0 : i32
      %dma_wait3A_343 = tpu.memref_slice %arg3[%dma_wait3A_341, %dma_wait3A_342] : memref<1000000x64xf32, #tpu.memory_space<hbm>> -> memref<256x64xf32, #tpu.memory_space<hbm>>
      tpu.wait_dma2 semaphore(%dma_wait3A_336 : memref<!tpu.dma_semaphore, #tpu.memory_space<semaphore_mem>>) src(%dma_wait3A_343 : memref<256x64xf32, #tpu.memory_space<hbm>>) dst(%dma_wait3A_340 : memref<256x64xf32, #tpu.memory_space<vmem>>)
      %scan3A_344 = arith.constant 0 : i32
      %scan3A_345 = arith.constant 0 : i32
      %scan3A_346 = arith.constant 256 : i32
      %scan3A_347 = arith.addi %scan3A_345, %scan3A_346 : i32
      %scan3A_348 = arith.constant 1 : i32
      scf.for %scan3A_492 = %scan3A_345 to %scan3A_347 step %scan3A_348  : i32 {
        %get3A = arith.constant 2 : i32
        %get3A_493 = arith.index_cast %get3A : i32 to index
        %get3A_494 = arith.index_cast %scan3A_492 : i32 to index
        %get3A_495 = arith.constant 0 : index
        %get3A_496 = tpu.vector_load %arg6[%get3A_493, %get3A_494, %get3A_495] {strides = array<i32>} : memref<5x256x64xf32, #tpu.memory_space<vmem>>, vector<1x1x16xf32>,
        %get3A_497 = vector.shape_cast %get3A_496 : vector<1x1x16xf32> to vector<16xf32>
        %mul3A_498 = arith.constant 8.000000e+00 : f32
        %mul3A_499 = vector.broadcast %mul3A_498 : f32 to vector<16xf32>
        %mul3A_500 = arith.mulf %get3A_497, %mul3A_499 : vector<16xf32>
        %swap3A = arith.constant 2 : i32
        %swap3A_501 = arith.index_cast %swap3A : i32 to index
        %swap3A_502 = arith.index_cast %scan3A_492 : i32 to index
        %swap3A_503 = arith.constant 0 : index
        %swap3A_504 = tpu.vector_load %arg6[%swap3A_501, %swap3A_502, %swap3A_503] {strides = array<i32>} : memref<5x256x64xf32, #tpu.memory_space<vmem>>, vector<1x1x16xf32>,
        %swap3A_505 = vector.shape_cast %swap3A_504 : vector<1x1x16xf32> to vector<16xf32>
        %swap3A_506 = vector.shape_cast %mul3A_500 : vector<16xf32> to vector<1x1x16xf32>
        tpu.vector_store %arg6[%swap3A_501, %swap3A_502, %swap3A_503], %swap3A_506 {strides = array<i32>} : memref<5x256x64xf32, #tpu.memory_space<vmem>>, vector<1x1x16xf32>,
        %get3A_507 = arith.constant 2 : i32
        %get3A_508 = arith.index_cast %get3A_507 : i32 to index
        %get3A_509 = arith.index_cast %scan3A_492 : i32 to index
        %get3A_510 = arith.constant 16 : index
        %get3A_511 = tpu.vector_load %arg6[%get3A_508, %get3A_509, %get3A_510] {strides = array<i32>} : memref<5x256x64xf32, #tpu.memory_space<vmem>>, vector<1x1x16xf32>,
        %get3A_512 = vector.shape_cast %get3A_511 : vector<1x1x16xf32> to vector<16xf32>
        %mul3A_513 = arith.constant 8.000000e+00 : f32
        %mul3A_514 = vector.broadcast %mul3A_513 : f32 to vector<16xf32>
        %mul3A_515 = arith.mulf %get3A_512, %mul3A_514 : vector<16xf32>
        %swap3A_516 = arith.constant 2 : i32
        %swap3A_517 = arith.index_cast %swap3A_516 : i32 to index
        %swap3A_518 = arith.index_cast %scan3A_492 : i32 to index
        %swap3A_519 = arith.constant 16 : index
        %swap3A_520 = tpu.vector_load %arg6[%swap3A_517, %swap3A_518, %swap3A_519] {strides = array<i32>} : memref<5x256x64xf32, #tpu.memory_space<vmem>>, vector<1x1x16xf32>,
        %swap3A_521 = vector.shape_cast %swap3A_520 : vector<1x1x16xf32> to vector<16xf32>
        %swap3A_522 = vector.shape_cast %mul3A_515 : vector<16xf32> to vector<1x1x16xf32>
        tpu.vector_store %arg6[%swap3A_517, %swap3A_518, %swap3A_519], %swap3A_522 {strides = array<i32>} : memref<5x256x64xf32, #tpu.memory_space<vmem>>, vector<1x1x16xf32>,
        %get3A_523 = arith.constant 2 : i32
        %get3A_524 = arith.index_cast %get3A_523 : i32 to index
        %get3A_525 = arith.index_cast %scan3A_492 : i32 to index
        %get3A_526 = arith.constant 32 : index
        %get3A_527 = tpu.vector_load %arg6[%get3A_524, %get3A_525, %get3A_526] {strides = array<i32>} : memref<5x256x64xf32, #tpu.memory_space<vmem>>, vector<1x1x16xf32>,
        %get3A_528 = vector.shape_cast %get3A_527 : vector<1x1x16xf32> to vector<16xf32>
        %mul3A_529 = arith.constant 8.000000e+00 : f32
        %mul3A_530 = vector.broadcast %mul3A_529 : f32 to vector<16xf32>
        %mul3A_531 = arith.mulf %get3A_528, %mul3A_530 : vector<16xf32>
        %swap3A_532 = arith.constant 2 : i32
        %swap3A_533 = arith.index_cast %swap3A_532 : i32 to index
        %swap3A_534 = arith.index_cast %scan3A_492 : i32 to index
        %swap3A_535 = arith.constant 32 : index
        %swap3A_536 = tpu.vector_load %arg6[%swap3A_533, %swap3A_534, %swap3A_535] {strides = array<i32>} : memref<5x256x64xf32, #tpu.memory_space<vmem>>, vector<1x1x16xf32>,
        %swap3A_537 = vector.shape_cast %swap3A_536 : vector<1x1x16xf32> to vector<16xf32>
        %swap3A_538 = vector.shape_cast %mul3A_531 : vector<16xf32> to vector<1x1x16xf32>
        tpu.vector_store %arg6[%swap3A_533, %swap3A_534, %swap3A_535], %swap3A_538 {strides = array<i32>} : memref<5x256x64xf32, #tpu.memory_space<vmem>>, vector<1x1x16xf32>,
        %get3A_539 = arith.constant 2 : i32
        %get3A_540 = arith.index_cast %get3A_539 : i32 to index
        %get3A_541 = arith.index_cast %scan3A_492 : i32 to index
        %get3A_542 = arith.constant 48 : index
        %get3A_543 = tpu.vector_load %arg6[%get3A_540, %get3A_541, %get3A_542] {strides = array<i32>} : memref<5x256x64xf32, #tpu.memory_space<vmem>>, vector<1x1x16xf32>,
        %get3A_544 = vector.shape_cast %get3A_543 : vector<1x1x16xf32> to vector<16xf32>
        %mul3A_545 = arith.constant 8.000000e+00 : f32
        %mul3A_546 = vector.broadcast %mul3A_545 : f32 to vector<16xf32>
        %mul3A_547 = arith.mulf %get3A_544, %mul3A_546 : vector<16xf32>
        %swap3A_548 = arith.constant 2 : i32
        %swap3A_549 = arith.index_cast %swap3A_548 : i32 to index
        %swap3A_550 = arith.index_cast %scan3A_492 : i32 to index
        %swap3A_551 = arith.constant 48 : index
        %swap3A_552 = tpu.vector_load %arg6[%swap3A_549, %swap3A_550, %swap3A_551] {strides = array<i32>} : memref<5x256x64xf32, #tpu.memory_space<vmem>>, vector<1x1x16xf32>,
        %swap3A_553 = vector.shape_cast %swap3A_552 : vector<1x1x16xf32> to vector<16xf32>
        %swap3A_554 = vector.shape_cast %mul3A_547 : vector<16xf32> to vector<1x1x16xf32>
        tpu.vector_store %arg6[%swap3A_549, %swap3A_550, %swap3A_551], %swap3A_554 {strides = array<i32>} : memref<5x256x64xf32, #tpu.memory_space<vmem>>, vector<1x1x16xf32>,
      }
      %scan3A_349 = arith.constant 256 : i32
      %mul3A_350 = arith.constant 256 : i32
      %mul3A_351 = arith.muli %add3A_310, %mul3A_350 : i32
      %add3A_352 = arith.addi %multiple_of3A, %mul3A_351 : i32
      %multiple_of3A_353 = tpu.assume_multiple %add3A_352, 8 : i32
      %dma_start3A_354 = arith.constant 2 : i32
      %dma_start3A_355 = arith.constant 2 : i32
      %dma_start3A_356 = arith.constant 0 : i32
      %dma_start3A_357 = arith.constant 0 : i32
      %dma_start3A_358 = tpu.memref_slice %arg6[%dma_start3A_354, %dma_start3A_356, %dma_start3A_357] : memref<5x256x64xf32, #tpu.memory_space<vmem>> -> memref<1x256x64xf32, #tpu.memory_space<vmem>>
      %dma_start3A_359 = tpu.memref_squeeze %dma_start3A_358 : memref<1x256x64xf32, #tpu.memory_space<vmem>> -> memref<256x64xf32, #tpu.memory_space<vmem>>
      %dma_start3A_360 = arith.constant 0 : i32
      %dma_start3A_361 = tpu.memref_slice %arg4[%multiple_of3A_353, %dma_start3A_360] : memref<819200x64xf32, #tpu.memory_space<hbm>> -> memref<256x64xf32, #tpu.memory_space<hbm>>
      %dma_start3A_362 = tpu.memref_slice %arg8[%dma_start3A_355] : memref<5x!tpu.dma_semaphore, #tpu.memory_space<semaphore_mem>> -> memref<1x!tpu.dma_semaphore, #tpu.memory_space<semaphore_mem>>
      %dma_start3A_363 = tpu.memref_squeeze %dma_start3A_362 : memref<1x!tpu.dma_semaphore, #tpu.memory_space<semaphore_mem>> -> memref<!tpu.dma_semaphore, #tpu.memory_space<semaphore_mem>>
      %dma_start3A_364 = arith.constant 0 : i32
      %dma_start3A_365 = tpu.memref_slice %arg4[%multiple_of3A_353, %dma_start3A_364] : memref<819200x64xf32, #tpu.memory_space<hbm>> -> memref<256x64xf32, #tpu.memory_space<hbm>>
      %dma_start3A_366 = arith.constant 0 : i32
      %dma_start3A_367 = arith.constant 0 : i32
      %dma_start3A_368 = tpu.memref_slice %arg6[%dma_start3A_354, %dma_start3A_366, %dma_start3A_367] : memref<5x256x64xf32, #tpu.memory_space<vmem>> -> memref<1x256x64xf32, #tpu.memory_space<vmem>>
      %dma_start3A_369 = tpu.memref_squeeze %dma_start3A_368 : memref<1x256x64xf32, #tpu.memory_space<vmem>> -> memref<256x64xf32, #tpu.memory_space<vmem>>
      tpu.enqueue_dma source(%dma_start3A_369 : memref<256x64xf32, #tpu.memory_space<vmem>>) target(%dma_start3A_365 : memref<256x64xf32, #tpu.memory_space<hbm>>) target_semaphore(%dma_start3A_363 : memref<!tpu.dma_semaphore, #tpu.memory_space<semaphore_mem>>)
      %add3A_370 = arith.constant 3 : i32
      %add3A_371 = arith.addi %mul3A_191, %add3A_370 : i32
      %add3A_372 = arith.constant 3 : i32
      %add3A_373 = arith.addi %add3A_371, %add3A_372 : i32
      %ge3A_374 = arith.constant 5 : i32
      %ge3A_375 = arith.cmpi sge, %add3A_373, %ge3A_374 : i32
      %lt3A_376 = arith.constant 100 : i32
      %lt3A_377 = arith.cmpi slt, %add3A_373, %lt3A_376 : i32
      %and3A_378 = arith.andi %ge3A_375, %lt3A_377 : i1
      %convert_element_type3A_379 = arith.extui %and3A_378 : i1 to i32
      %cond3A_380 = arith.constant 0 : i32
      %cond3A_381 = arith.cmpi ne, %convert_element_type3A_379, %cond3A_380 : i32
      scf.if %cond3A_381 {
        %dma_wait3A_492 = arith.constant 1 : i32
        %dma_wait3A_493 = arith.constant 1 : i32
        %dma_wait3A_494 = arith.constant 0 : i32
        %dma_wait3A_495 = arith.constant 0 : i32
        %dma_wait3A_496 = tpu.memref_slice %arg6[%dma_wait3A_492, %dma_wait3A_494, %dma_wait3A_495] : memref<5x256x64xf32, #tpu.memory_space<vmem>> -> memref<1x256x64xf32, #tpu.memory_space<vmem>>
        %dma_wait3A_497 = tpu.memref_squeeze %dma_wait3A_496 : memref<1x256x64xf32, #tpu.memory_space<vmem>> -> memref<256x64xf32, #tpu.memory_space<vmem>>
        %dma_wait3A_498 = arith.constant 0 : i32
        %dma_wait3A_499 = arith.constant 0 : i32
        %dma_wait3A_500 = tpu.memref_slice %arg4[%dma_wait3A_498, %dma_wait3A_499] : memref<819200x64xf32, #tpu.memory_space<hbm>> -> memref<256x64xf32, #tpu.memory_space<hbm>>
        %dma_wait3A_501 = tpu.memref_slice %arg8[%dma_wait3A_493] : memref<5x!tpu.dma_semaphore, #tpu.memory_space<semaphore_mem>> -> memref<1x!tpu.dma_semaphore, #tpu.memory_space<semaphore_mem>>
        %dma_wait3A_502 = tpu.memref_squeeze %dma_wait3A_501 : memref<1x!tpu.dma_semaphore, #tpu.memory_space<semaphore_mem>> -> memref<!tpu.dma_semaphore, #tpu.memory_space<semaphore_mem>>
        %dma_wait3A_503 = arith.constant 0 : i32
        %dma_wait3A_504 = arith.constant 0 : i32
        %dma_wait3A_505 = tpu.memref_slice %arg4[%dma_wait3A_503, %dma_wait3A_504] : memref<819200x64xf32, #tpu.memory_space<hbm>> -> memref<256x64xf32, #tpu.memory_space<hbm>>
        %dma_wait3A_506 = arith.constant 0 : i32
        %dma_wait3A_507 = arith.constant 0 : i32
        %dma_wait3A_508 = tpu.memref_slice %arg6[%dma_wait3A_492, %dma_wait3A_506, %dma_wait3A_507] : memref<5x256x64xf32, #tpu.memory_space<vmem>> -> memref<1x256x64xf32, #tpu.memory_space<vmem>>
        %dma_wait3A_509 = tpu.memref_squeeze %dma_wait3A_508 : memref<1x256x64xf32, #tpu.memory_space<vmem>> -> memref<256x64xf32, #tpu.memory_space<vmem>>
        tpu.wait_dma2 semaphore(%dma_wait3A_502 : memref<!tpu.dma_semaphore, #tpu.memory_space<semaphore_mem>>) src(%dma_wait3A_509 : memref<256x64xf32, #tpu.memory_space<vmem>>) dst(%dma_wait3A_505 : memref<256x64xf32, #tpu.memory_space<hbm>>)
      } else {
      }
      %lt3A_382 = arith.constant 100 : i32
      %lt3A_383 = arith.cmpi slt, %add3A_373, %lt3A_382 : i32
      %convert_element_type3A_384 = arith.extui %lt3A_383 : i1 to i32
      %cond3A_385 = arith.constant 0 : i32
      %cond3A_386 = arith.cmpi ne, %convert_element_type3A_384, %cond3A_385 : i32
      scf.if %cond3A_386 {
        %mul3A_492 = arith.constant 2 : i32
        %mul3A_493 = arith.muli %add3A_373, %mul3A_492 : i32
        %add3A_494 = arith.constant 0 : i32
        %add3A_495 = arith.addi %mul3A_493, %add3A_494 : i32
        %dma_start3A_496 = arith.constant 1 : i32
        %dma_start3A_497 = arith.constant 1 : i32
        %dma_start3A_498 = arith.constant 0 : i32
        %dma_start3A_499 = arith.constant 0 : i32
        %dma_start3A_500 = tpu.memref_slice %arg6[%dma_start3A_496, %dma_start3A_498, %dma_start3A_499] : memref<5x256x64xf32, #tpu.memory_space<vmem>> -> memref<1x128x64xf32, #tpu.memory_space<vmem>>
        %dma_start3A_501 = tpu.memref_squeeze %dma_start3A_500 : memref<1x128x64xf32, #tpu.memory_space<vmem>> -> memref<128x64xf32, #tpu.memory_space<vmem>>
        %dma_start3A_502 = arith.constant 0 : i32
        %dma_start3A_503 = tpu.memref_slice %arg5[%add3A_495, %dma_start3A_502] : memref<200x128xi32, #tpu.memory_space<vmem>> -> memref<1x128xi32, #tpu.memory_space<vmem>>
        %dma_start3A_504 = tpu.memref_squeeze %dma_start3A_503 : memref<1x128xi32, #tpu.memory_space<vmem>> -> memref<128xi32, #tpu.memory_space<vmem>>
        %dma_start3A_505 = arith.constant 0 : i32
        %dma_start3A_506 = arith.constant 0 : i32
        %dma_start3A_507 = tpu.memref_slice %arg3[%dma_start3A_505, %dma_start3A_506] : memref<1000000x64xf32, #tpu.memory_space<hbm>> -> memref<1000000x64xf32, #tpu.memory_space<hbm>>
        %dma_start3A_508 = tpu.memref_slice %arg7[%dma_start3A_497] : memref<5x!tpu.dma_semaphore, #tpu.memory_space<semaphore_mem>> -> memref<1x!tpu.dma_semaphore, #tpu.memory_space<semaphore_mem>>
        %dma_start3A_509 = tpu.memref_squeeze %dma_start3A_508 : memref<1x!tpu.dma_semaphore, #tpu.memory_space<semaphore_mem>> -> memref<!tpu.dma_semaphore, #tpu.memory_space<semaphore_mem>>
        tpu.enqueue_indirect_dma source(%dma_start3A_507 : memref<1000000x64xf32, #tpu.memory_space<hbm>>) target(%dma_start3A_501 : memref<128x64xf32, #tpu.memory_space<vmem>>) offsets(%dma_start3A_504 : memref<128xi32, #tpu.memory_space<vmem>>) semaphore(%dma_start3A_509 : memref<!tpu.dma_semaphore, #tpu.memory_space<semaphore_mem>>)
        %mul3A_510 = arith.constant 2 : i32
        %mul3A_511 = arith.muli %add3A_373, %mul3A_510 : i32
        %add3A_512 = arith.constant 1 : i32
        %add3A_513 = arith.addi %mul3A_511, %add3A_512 : i32
        %dma_start3A_514 = arith.constant 1 : i32
        %dma_start3A_515 = arith.constant 1 : i32
        %dma_start3A_516 = arith.constant 128 : i32
        %dma_start3A_517 = arith.constant 0 : i32
        %dma_start3A_518 = tpu.memref_slice %arg6[%dma_start3A_514, %dma_start3A_516, %dma_start3A_517] : memref<5x256x64xf32, #tpu.memory_space<vmem>> -> memref<1x128x64xf32, #tpu.memory_space<vmem>>
        %dma_start3A_519 = tpu.memref_squeeze %dma_start3A_518 : memref<1x128x64xf32, #tpu.memory_space<vmem>> -> memref<128x64xf32, #tpu.memory_space<vmem>>
        %dma_start3A_520 = arith.constant 0 : i32
        %dma_start3A_521 = tpu.memref_slice %arg5[%add3A_513, %dma_start3A_520] : memref<200x128xi32, #tpu.memory_space<vmem>> -> memref<1x128xi32, #tpu.memory_space<vmem>>
        %dma_start3A_522 = tpu.memref_squeeze %dma_start3A_521 : memref<1x128xi32, #tpu.memory_space<vmem>> -> memref<128xi32, #tpu.memory_space<vmem>>
        %dma_start3A_523 = arith.constant 0 : i32
        %dma_start3A_524 = arith.constant 0 : i32
        %dma_start3A_525 = tpu.memref_slice %arg3[%dma_start3A_523, %dma_start3A_524] : memref<1000000x64xf32, #tpu.memory_space<hbm>> -> memref<1000000x64xf32, #tpu.memory_space<hbm>>
        %dma_start3A_526 = tpu.memref_slice %arg7[%dma_start3A_515] : memref<5x!tpu.dma_semaphore, #tpu.memory_space<semaphore_mem>> -> memref<1x!tpu.dma_semaphore, #tpu.memory_space<semaphore_mem>>
        %dma_start3A_527 = tpu.memref_squeeze %dma_start3A_526 : memref<1x!tpu.dma_semaphore, #tpu.memory_space<semaphore_mem>> -> memref<!tpu.dma_semaphore, #tpu.memory_space<semaphore_mem>>
        tpu.enqueue_indirect_dma source(%dma_start3A_525 : memref<1000000x64xf32, #tpu.memory_space<hbm>>) target(%dma_start3A_519 : memref<128x64xf32, #tpu.memory_space<vmem>>) offsets(%dma_start3A_522 : memref<128xi32, #tpu.memory_space<vmem>>) semaphore(%dma_start3A_527 : memref<!tpu.dma_semaphore, #tpu.memory_space<semaphore_mem>>)
      } else {
      }
      %dma_wait3A_387 = arith.constant 3 : i32
      %dma_wait3A_388 = arith.constant 3 : i32
      %dma_wait3A_389 = arith.constant 0 : i32
      %dma_wait3A_390 = arith.constant 0 : i32
      %dma_wait3A_391 = tpu.memref_slice %arg6[%dma_wait3A_387, %dma_wait3A_389, %dma_wait3A_390] : memref<5x256x64xf32, #tpu.memory_space<vmem>> -> memref<1x256x64xf32, #tpu.memory_space<vmem>>
      %dma_wait3A_392 = tpu.memref_squeeze %dma_wait3A_391 : memref<1x256x64xf32, #tpu.memory_space<vmem>> -> memref<256x64xf32, #tpu.memory_space<vmem>>
      %dma_wait3A_393 = arith.constant 0 : i32
      %dma_wait3A_394 = arith.constant 0 : i32
      %dma_wait3A_395 = tpu.memref_slice %arg3[%dma_wait3A_393, %dma_wait3A_394] : memref<1000000x64xf32, #tpu.memory_space<hbm>> -> memref<256x64xf32, #tpu.memory_space<hbm>>
      %dma_wait3A_396 = tpu.memref_slice %arg7[%dma_wait3A_388] : memref<5x!tpu.dma_semaphore, #tpu.memory_space<semaphore_mem>> -> memref<1x!tpu.dma_semaphore, #tpu.memory_space<semaphore_mem>>
      %dma_wait3A_397 = tpu.memref_squeeze %dma_wait3A_396 : memref<1x!tpu.dma_semaphore, #tpu.memory_space<semaphore_mem>> -> memref<!tpu.dma_semaphore, #tpu.memory_space<semaphore_mem>>
      %dma_wait3A_398 = arith.constant 0 : i32
      %dma_wait3A_399 = arith.constant 0 : i32
      %dma_wait3A_400 = tpu.memref_slice %arg6[%dma_wait3A_387, %dma_wait3A_398, %dma_wait3A_399] : memref<5x256x64xf32, #tpu.memory_space<vmem>> -> memref<1x256x64xf32, #tpu.memory_space<vmem>>
      %dma_wait3A_401 = tpu.memref_squeeze %dma_wait3A_400 : memref<1x256x64xf32, #tpu.memory_space<vmem>> -> memref<256x64xf32, #tpu.memory_space<vmem>>
      %dma_wait3A_402 = arith.constant 0 : i32
      %dma_wait3A_403 = arith.constant 0 : i32
      %dma_wait3A_404 = tpu.memref_slice %arg3[%dma_wait3A_402, %dma_wait3A_403] : memref<1000000x64xf32, #tpu.memory_space<hbm>> -> memref<256x64xf32, #tpu.memory_space<hbm>>
      tpu.wait_dma2 semaphore(%dma_wait3A_397 : memref<!tpu.dma_semaphore, #tpu.memory_space<semaphore_mem>>) src(%dma_wait3A_404 : memref<256x64xf32, #tpu.memory_space<hbm>>) dst(%dma_wait3A_401 : memref<256x64xf32, #tpu.memory_space<vmem>>)
      %scan3A_405 = arith.constant 0 : i32
      %scan3A_406 = arith.constant 0 : i32
      %scan3A_407 = arith.constant 256 : i32
      %scan3A_408 = arith.addi %scan3A_406, %scan3A_407 : i32
      %scan3A_409 = arith.constant 1 : i32
      scf.for %scan3A_492 = %scan3A_406 to %scan3A_408 step %scan3A_409  : i32 {
        %get3A = arith.constant 3 : i32
        %get3A_493 = arith.index_cast %get3A : i32 to index
        %get3A_494 = arith.index_cast %scan3A_492 : i32 to index
        %get3A_495 = arith.constant 0 : index
        %get3A_496 = tpu.vector_load %arg6[%get3A_493, %get3A_494, %get3A_495] {strides = array<i32>} : memref<5x256x64xf32, #tpu.memory_space<vmem>>, vector<1x1x16xf32>,
        %get3A_497 = vector.shape_cast %get3A_496 : vector<1x1x16xf32> to vector<16xf32>
        %mul3A_498 = arith.constant 8.000000e+00 : f32
        %mul3A_499 = vector.broadcast %mul3A_498 : f32 to vector<16xf32>
        %mul3A_500 = arith.mulf %get3A_497, %mul3A_499 : vector<16xf32>
        %swap3A = arith.constant 3 : i32
        %swap3A_501 = arith.index_cast %swap3A : i32 to index
        %swap3A_502 = arith.index_cast %scan3A_492 : i32 to index
        %swap3A_503 = arith.constant 0 : index
        %swap3A_504 = tpu.vector_load %arg6[%swap3A_501, %swap3A_502, %swap3A_503] {strides = array<i32>} : memref<5x256x64xf32, #tpu.memory_space<vmem>>, vector<1x1x16xf32>,
        %swap3A_505 = vector.shape_cast %swap3A_504 : vector<1x1x16xf32> to vector<16xf32>
        %swap3A_506 = vector.shape_cast %mul3A_500 : vector<16xf32> to vector<1x1x16xf32>
        tpu.vector_store %arg6[%swap3A_501, %swap3A_502, %swap3A_503], %swap3A_506 {strides = array<i32>} : memref<5x256x64xf32, #tpu.memory_space<vmem>>, vector<1x1x16xf32>,
        %get3A_507 = arith.constant 3 : i32
        %get3A_508 = arith.index_cast %get3A_507 : i32 to index
        %get3A_509 = arith.index_cast %scan3A_492 : i32 to index
        %get3A_510 = arith.constant 16 : index
        %get3A_511 = tpu.vector_load %arg6[%get3A_508, %get3A_509, %get3A_510] {strides = array<i32>} : memref<5x256x64xf32, #tpu.memory_space<vmem>>, vector<1x1x16xf32>,
        %get3A_512 = vector.shape_cast %get3A_511 : vector<1x1x16xf32> to vector<16xf32>
        %mul3A_513 = arith.constant 8.000000e+00 : f32
        %mul3A_514 = vector.broadcast %mul3A_513 : f32 to vector<16xf32>
        %mul3A_515 = arith.mulf %get3A_512, %mul3A_514 : vector<16xf32>
        %swap3A_516 = arith.constant 3 : i32
        %swap3A_517 = arith.index_cast %swap3A_516 : i32 to index
        %swap3A_518 = arith.index_cast %scan3A_492 : i32 to index
        %swap3A_519 = arith.constant 16 : index
        %swap3A_520 = tpu.vector_load %arg6[%swap3A_517, %swap3A_518, %swap3A_519] {strides = array<i32>} : memref<5x256x64xf32, #tpu.memory_space<vmem>>, vector<1x1x16xf32>,
        %swap3A_521 = vector.shape_cast %swap3A_520 : vector<1x1x16xf32> to vector<16xf32>
        %swap3A_522 = vector.shape_cast %mul3A_515 : vector<16xf32> to vector<1x1x16xf32>
        tpu.vector_store %arg6[%swap3A_517, %swap3A_518, %swap3A_519], %swap3A_522 {strides = array<i32>} : memref<5x256x64xf32, #tpu.memory_space<vmem>>, vector<1x1x16xf32>,
        %get3A_523 = arith.constant 3 : i32
        %get3A_524 = arith.index_cast %get3A_523 : i32 to index
        %get3A_525 = arith.index_cast %scan3A_492 : i32 to index
        %get3A_526 = arith.constant 32 : index
        %get3A_527 = tpu.vector_load %arg6[%get3A_524, %get3A_525, %get3A_526] {strides = array<i32>} : memref<5x256x64xf32, #tpu.memory_space<vmem>>, vector<1x1x16xf32>,
        %get3A_528 = vector.shape_cast %get3A_527 : vector<1x1x16xf32> to vector<16xf32>
        %mul3A_529 = arith.constant 8.000000e+00 : f32
        %mul3A_530 = vector.broadcast %mul3A_529 : f32 to vector<16xf32>
        %mul3A_531 = arith.mulf %get3A_528, %mul3A_530 : vector<16xf32>
        %swap3A_532 = arith.constant 3 : i32
        %swap3A_533 = arith.index_cast %swap3A_532 : i32 to index
        %swap3A_534 = arith.index_cast %scan3A_492 : i32 to index
        %swap3A_535 = arith.constant 32 : index
        %swap3A_536 = tpu.vector_load %arg6[%swap3A_533, %swap3A_534, %swap3A_535] {strides = array<i32>} : memref<5x256x64xf32, #tpu.memory_space<vmem>>, vector<1x1x16xf32>,
        %swap3A_537 = vector.shape_cast %swap3A_536 : vector<1x1x16xf32> to vector<16xf32>
        %swap3A_538 = vector.shape_cast %mul3A_531 : vector<16xf32> to vector<1x1x16xf32>
        tpu.vector_store %arg6[%swap3A_533, %swap3A_534, %swap3A_535], %swap3A_538 {strides = array<i32>} : memref<5x256x64xf32, #tpu.memory_space<vmem>>, vector<1x1x16xf32>,
        %get3A_539 = arith.constant 3 : i32
        %get3A_540 = arith.index_cast %get3A_539 : i32 to index
        %get3A_541 = arith.index_cast %scan3A_492 : i32 to index
        %get3A_542 = arith.constant 48 : index
        %get3A_543 = tpu.vector_load %arg6[%get3A_540, %get3A_541, %get3A_542] {strides = array<i32>} : memref<5x256x64xf32, #tpu.memory_space<vmem>>, vector<1x1x16xf32>,
        %get3A_544 = vector.shape_cast %get3A_543 : vector<1x1x16xf32> to vector<16xf32>
        %mul3A_545 = arith.constant 8.000000e+00 : f32
        %mul3A_546 = vector.broadcast %mul3A_545 : f32 to vector<16xf32>
        %mul3A_547 = arith.mulf %get3A_544, %mul3A_546 : vector<16xf32>
        %swap3A_548 = arith.constant 3 : i32
        %swap3A_549 = arith.index_cast %swap3A_548 : i32 to index
        %swap3A_550 = arith.index_cast %scan3A_492 : i32 to index
        %swap3A_551 = arith.constant 48 : index
        %swap3A_552 = tpu.vector_load %arg6[%swap3A_549, %swap3A_550, %swap3A_551] {strides = array<i32>} : memref<5x256x64xf32, #tpu.memory_space<vmem>>, vector<1x1x16xf32>,
        %swap3A_553 = vector.shape_cast %swap3A_552 : vector<1x1x16xf32> to vector<16xf32>
        %swap3A_554 = vector.shape_cast %mul3A_547 : vector<16xf32> to vector<1x1x16xf32>
        tpu.vector_store %arg6[%swap3A_549, %swap3A_550, %swap3A_551], %swap3A_554 {strides = array<i32>} : memref<5x256x64xf32, #tpu.memory_space<vmem>>, vector<1x1x16xf32>,
      }
      %scan3A_410 = arith.constant 256 : i32
      %mul3A_411 = arith.constant 256 : i32
      %mul3A_412 = arith.muli %add3A_371, %mul3A_411 : i32
      %add3A_413 = arith.addi %multiple_of3A, %mul3A_412 : i32
      %multiple_of3A_414 = tpu.assume_multiple %add3A_413, 8 : i32
      %dma_start3A_415 = arith.constant 3 : i32
      %dma_start3A_416 = arith.constant 3 : i32
      %dma_start3A_417 = arith.constant 0 : i32
      %dma_start3A_418 = arith.constant 0 : i32
      %dma_start3A_419 = tpu.memref_slice %arg6[%dma_start3A_415, %dma_start3A_417, %dma_start3A_418] : memref<5x256x64xf32, #tpu.memory_space<vmem>> -> memref<1x256x64xf32, #tpu.memory_space<vmem>>
      %dma_start3A_420 = tpu.memref_squeeze %dma_start3A_419 : memref<1x256x64xf32, #tpu.memory_space<vmem>> -> memref<256x64xf32, #tpu.memory_space<vmem>>
      %dma_start3A_421 = arith.constant 0 : i32
      %dma_start3A_422 = tpu.memref_slice %arg4[%multiple_of3A_414, %dma_start3A_421] : memref<819200x64xf32, #tpu.memory_space<hbm>> -> memref<256x64xf32, #tpu.memory_space<hbm>>
      %dma_start3A_423 = tpu.memref_slice %arg8[%dma_start3A_416] : memref<5x!tpu.dma_semaphore, #tpu.memory_space<semaphore_mem>> -> memref<1x!tpu.dma_semaphore, #tpu.memory_space<semaphore_mem>>
      %dma_start3A_424 = tpu.memref_squeeze %dma_start3A_423 : memref<1x!tpu.dma_semaphore, #tpu.memory_space<semaphore_mem>> -> memref<!tpu.dma_semaphore, #tpu.memory_space<semaphore_mem>>
      %dma_start3A_425 = arith.constant 0 : i32
      %dma_start3A_426 = tpu.memref_slice %arg4[%multiple_of3A_414, %dma_start3A_425] : memref<819200x64xf32, #tpu.memory_space<hbm>> -> memref<256x64xf32, #tpu.memory_space<hbm>>
      %dma_start3A_427 = arith.constant 0 : i32
      %dma_start3A_428 = arith.constant 0 : i32
      %dma_start3A_429 = tpu.memref_slice %arg6[%dma_start3A_415, %dma_start3A_427, %dma_start3A_428] : memref<5x256x64xf32, #tpu.memory_space<vmem>> -> memref<1x256x64xf32, #tpu.memory_space<vmem>>
      %dma_start3A_430 = tpu.memref_squeeze %dma_start3A_429 : memref<1x256x64xf32, #tpu.memory_space<vmem>> -> memref<256x64xf32, #tpu.memory_space<vmem>>
      tpu.enqueue_dma source(%dma_start3A_430 : memref<256x64xf32, #tpu.memory_space<vmem>>) target(%dma_start3A_426 : memref<256x64xf32, #tpu.memory_space<hbm>>) target_semaphore(%dma_start3A_424 : memref<!tpu.dma_semaphore, #tpu.memory_space<semaphore_mem>>)
      %add3A_431 = arith.constant 4 : i32
      %add3A_432 = arith.addi %mul3A_191, %add3A_431 : i32
      %add3A_433 = arith.constant 3 : i32
      %add3A_434 = arith.addi %add3A_432, %add3A_433 : i32
      %ge3A_435 = arith.constant 5 : i32
      %ge3A_436 = arith.cmpi sge, %add3A_434, %ge3A_435 : i32
      %lt3A_437 = arith.constant 100 : i32
      %lt3A_438 = arith.cmpi slt, %add3A_434, %lt3A_437 : i32
      %and3A_439 = arith.andi %ge3A_436, %lt3A_438 : i1
      %convert_element_type3A_440 = arith.extui %and3A_439 : i1 to i32
      %cond3A_441 = arith.constant 0 : i32
      %cond3A_442 = arith.cmpi ne, %convert_element_type3A_440, %cond3A_441 : i32
      scf.if %cond3A_442 {
        %dma_wait3A_492 = arith.constant 2 : i32
        %dma_wait3A_493 = arith.constant 2 : i32
        %dma_wait3A_494 = arith.constant 0 : i32
        %dma_wait3A_495 = arith.constant 0 : i32
        %dma_wait3A_496 = tpu.memref_slice %arg6[%dma_wait3A_492, %dma_wait3A_494, %dma_wait3A_495] : memref<5x256x64xf32, #tpu.memory_space<vmem>> -> memref<1x256x64xf32, #tpu.memory_space<vmem>>
        %dma_wait3A_497 = tpu.memref_squeeze %dma_wait3A_496 : memref<1x256x64xf32, #tpu.memory_space<vmem>> -> memref<256x64xf32, #tpu.memory_space<vmem>>
        %dma_wait3A_498 = arith.constant 0 : i32
        %dma_wait3A_499 = arith.constant 0 : i32
        %dma_wait3A_500 = tpu.memref_slice %arg4[%dma_wait3A_498, %dma_wait3A_499] : memref<819200x64xf32, #tpu.memory_space<hbm>> -> memref<256x64xf32, #tpu.memory_space<hbm>>
        %dma_wait3A_501 = tpu.memref_slice %arg8[%dma_wait3A_493] : memref<5x!tpu.dma_semaphore, #tpu.memory_space<semaphore_mem>> -> memref<1x!tpu.dma_semaphore, #tpu.memory_space<semaphore_mem>>
        %dma_wait3A_502 = tpu.memref_squeeze %dma_wait3A_501 : memref<1x!tpu.dma_semaphore, #tpu.memory_space<semaphore_mem>> -> memref<!tpu.dma_semaphore, #tpu.memory_space<semaphore_mem>>
        %dma_wait3A_503 = arith.constant 0 : i32
        %dma_wait3A_504 = arith.constant 0 : i32
        %dma_wait3A_505 = tpu.memref_slice %arg4[%dma_wait3A_503, %dma_wait3A_504] : memref<819200x64xf32, #tpu.memory_space<hbm>> -> memref<256x64xf32, #tpu.memory_space<hbm>>
        %dma_wait3A_506 = arith.constant 0 : i32
        %dma_wait3A_507 = arith.constant 0 : i32
        %dma_wait3A_508 = tpu.memref_slice %arg6[%dma_wait3A_492, %dma_wait3A_506, %dma_wait3A_507] : memref<5x256x64xf32, #tpu.memory_space<vmem>> -> memref<1x256x64xf32, #tpu.memory_space<vmem>>
        %dma_wait3A_509 = tpu.memref_squeeze %dma_wait3A_508 : memref<1x256x64xf32, #tpu.memory_space<vmem>> -> memref<256x64xf32, #tpu.memory_space<vmem>>
        tpu.wait_dma2 semaphore(%dma_wait3A_502 : memref<!tpu.dma_semaphore, #tpu.memory_space<semaphore_mem>>) src(%dma_wait3A_509 : memref<256x64xf32, #tpu.memory_space<vmem>>) dst(%dma_wait3A_505 : memref<256x64xf32, #tpu.memory_space<hbm>>)
      } else {
      }
      %lt3A_443 = arith.constant 100 : i32
      %lt3A_444 = arith.cmpi slt, %add3A_434, %lt3A_443 : i32
      %convert_element_type3A_445 = arith.extui %lt3A_444 : i1 to i32
      %cond3A_446 = arith.constant 0 : i32
      %cond3A_447 = arith.cmpi ne, %convert_element_type3A_445, %cond3A_446 : i32
      scf.if %cond3A_447 {
        %mul3A_492 = arith.constant 2 : i32
        %mul3A_493 = arith.muli %add3A_434, %mul3A_492 : i32
        %add3A_494 = arith.constant 0 : i32
        %add3A_495 = arith.addi %mul3A_493, %add3A_494 : i32
        %dma_start3A_496 = arith.constant 2 : i32
        %dma_start3A_497 = arith.constant 2 : i32
        %dma_start3A_498 = arith.constant 0 : i32
        %dma_start3A_499 = arith.constant 0 : i32
        %dma_start3A_500 = tpu.memref_slice %arg6[%dma_start3A_496, %dma_start3A_498, %dma_start3A_499] : memref<5x256x64xf32, #tpu.memory_space<vmem>> -> memref<1x128x64xf32, #tpu.memory_space<vmem>>
        %dma_start3A_501 = tpu.memref_squeeze %dma_start3A_500 : memref<1x128x64xf32, #tpu.memory_space<vmem>> -> memref<128x64xf32, #tpu.memory_space<vmem>>
        %dma_start3A_502 = arith.constant 0 : i32
        %dma_start3A_503 = tpu.memref_slice %arg5[%add3A_495, %dma_start3A_502] : memref<200x128xi32, #tpu.memory_space<vmem>> -> memref<1x128xi32, #tpu.memory_space<vmem>>
        %dma_start3A_504 = tpu.memref_squeeze %dma_start3A_503 : memref<1x128xi32, #tpu.memory_space<vmem>> -> memref<128xi32, #tpu.memory_space<vmem>>
        %dma_start3A_505 = arith.constant 0 : i32
        %dma_start3A_506 = arith.constant 0 : i32
        %dma_start3A_507 = tpu.memref_slice %arg3[%dma_start3A_505, %dma_start3A_506] : memref<1000000x64xf32, #tpu.memory_space<hbm>> -> memref<1000000x64xf32, #tpu.memory_space<hbm>>
        %dma_start3A_508 = tpu.memref_slice %arg7[%dma_start3A_497] : memref<5x!tpu.dma_semaphore, #tpu.memory_space<semaphore_mem>> -> memref<1x!tpu.dma_semaphore, #tpu.memory_space<semaphore_mem>>
        %dma_start3A_509 = tpu.memref_squeeze %dma_start3A_508 : memref<1x!tpu.dma_semaphore, #tpu.memory_space<semaphore_mem>> -> memref<!tpu.dma_semaphore, #tpu.memory_space<semaphore_mem>>
        tpu.enqueue_indirect_dma source(%dma_start3A_507 : memref<1000000x64xf32, #tpu.memory_space<hbm>>) target(%dma_start3A_501 : memref<128x64xf32, #tpu.memory_space<vmem>>) offsets(%dma_start3A_504 : memref<128xi32, #tpu.memory_space<vmem>>) semaphore(%dma_start3A_509 : memref<!tpu.dma_semaphore, #tpu.memory_space<semaphore_mem>>)
        %mul3A_510 = arith.constant 2 : i32
        %mul3A_511 = arith.muli %add3A_434, %mul3A_510 : i32
        %add3A_512 = arith.constant 1 : i32
        %add3A_513 = arith.addi %mul3A_511, %add3A_512 : i32
        %dma_start3A_514 = arith.constant 2 : i32
        %dma_start3A_515 = arith.constant 2 : i32
        %dma_start3A_516 = arith.constant 128 : i32
        %dma_start3A_517 = arith.constant 0 : i32
        %dma_start3A_518 = tpu.memref_slice %arg6[%dma_start3A_514, %dma_start3A_516, %dma_start3A_517] : memref<5x256x64xf32, #tpu.memory_space<vmem>> -> memref<1x128x64xf32, #tpu.memory_space<vmem>>
        %dma_start3A_519 = tpu.memref_squeeze %dma_start3A_518 : memref<1x128x64xf32, #tpu.memory_space<vmem>> -> memref<128x64xf32, #tpu.memory_space<vmem>>
        %dma_start3A_520 = arith.constant 0 : i32
        %dma_start3A_521 = tpu.memref_slice %arg5[%add3A_513, %dma_start3A_520] : memref<200x128xi32, #tpu.memory_space<vmem>> -> memref<1x128xi32, #tpu.memory_space<vmem>>
        %dma_start3A_522 = tpu.memref_squeeze %dma_start3A_521 : memref<1x128xi32, #tpu.memory_space<vmem>> -> memref<128xi32, #tpu.memory_space<vmem>>
        %dma_start3A_523 = arith.constant 0 : i32
        %dma_start3A_524 = arith.constant 0 : i32
        %dma_start3A_525 = tpu.memref_slice %arg3[%dma_start3A_523, %dma_start3A_524] : memref<1000000x64xf32, #tpu.memory_space<hbm>> -> memref<1000000x64xf32, #tpu.memory_space<hbm>>
        %dma_start3A_526 = tpu.memref_slice %arg7[%dma_start3A_515] : memref<5x!tpu.dma_semaphore, #tpu.memory_space<semaphore_mem>> -> memref<1x!tpu.dma_semaphore, #tpu.memory_space<semaphore_mem>>
        %dma_start3A_527 = tpu.memref_squeeze %dma_start3A_526 : memref<1x!tpu.dma_semaphore, #tpu.memory_space<semaphore_mem>> -> memref<!tpu.dma_semaphore, #tpu.memory_space<semaphore_mem>>
        tpu.enqueue_indirect_dma source(%dma_start3A_525 : memref<1000000x64xf32, #tpu.memory_space<hbm>>) target(%dma_start3A_519 : memref<128x64xf32, #tpu.memory_space<vmem>>) offsets(%dma_start3A_522 : memref<128xi32, #tpu.memory_space<vmem>>) semaphore(%dma_start3A_527 : memref<!tpu.dma_semaphore, #tpu.memory_space<semaphore_mem>>)
      } else {
      }
      %dma_wait3A_448 = arith.constant 4 : i32
      %dma_wait3A_449 = arith.constant 4 : i32
      %dma_wait3A_450 = arith.constant 0 : i32
      %dma_wait3A_451 = arith.constant 0 : i32
      %dma_wait3A_452 = tpu.memref_slice %arg6[%dma_wait3A_448, %dma_wait3A_450, %dma_wait3A_451] : memref<5x256x64xf32, #tpu.memory_space<vmem>> -> memref<1x256x64xf32, #tpu.memory_space<vmem>>
      %dma_wait3A_453 = tpu.memref_squeeze %dma_wait3A_452 : memref<1x256x64xf32, #tpu.memory_space<vmem>> -> memref<256x64xf32, #tpu.memory_space<vmem>>
      %dma_wait3A_454 = arith.constant 0 : i32
      %dma_wait3A_455 = arith.constant 0 : i32
      %dma_wait3A_456 = tpu.memref_slice %arg3[%dma_wait3A_454, %dma_wait3A_455] : memref<1000000x64xf32, #tpu.memory_space<hbm>> -> memref<256x64xf32, #tpu.memory_space<hbm>>
      %dma_wait3A_457 = tpu.memref_slice %arg7[%dma_wait3A_449] : memref<5x!tpu.dma_semaphore, #tpu.memory_space<semaphore_mem>> -> memref<1x!tpu.dma_semaphore, #tpu.memory_space<semaphore_mem>>
      %dma_wait3A_458 = tpu.memref_squeeze %dma_wait3A_457 : memref<1x!tpu.dma_semaphore, #tpu.memory_space<semaphore_mem>> -> memref<!tpu.dma_semaphore, #tpu.memory_space<semaphore_mem>>
      %dma_wait3A_459 = arith.constant 0 : i32
      %dma_wait3A_460 = arith.constant 0 : i32
      %dma_wait3A_461 = tpu.memref_slice %arg6[%dma_wait3A_448, %dma_wait3A_459, %dma_wait3A_460] : memref<5x256x64xf32, #tpu.memory_space<vmem>> -> memref<1x256x64xf32, #tpu.memory_space<vmem>>
      %dma_wait3A_462 = tpu.memref_squeeze %dma_wait3A_461 : memref<1x256x64xf32, #tpu.memory_space<vmem>> -> memref<256x64xf32, #tpu.memory_space<vmem>>
      %dma_wait3A_463 = arith.constant 0 : i32
      %dma_wait3A_464 = arith.constant 0 : i32
      %dma_wait3A_465 = tpu.memref_slice %arg3[%dma_wait3A_463, %dma_wait3A_464] : memref<1000000x64xf32, #tpu.memory_space<hbm>> -> memref<256x64xf32, #tpu.memory_space<hbm>>
      tpu.wait_dma2 semaphore(%dma_wait3A_458 : memref<!tpu.dma_semaphore, #tpu.memory_space<semaphore_mem>>) src(%dma_wait3A_465 : memref<256x64xf32, #tpu.memory_space<hbm>>) dst(%dma_wait3A_462 : memref<256x64xf32, #tpu.memory_space<vmem>>)
      %scan3A_466 = arith.constant 0 : i32
      %scan3A_467 = arith.constant 0 : i32
      %scan3A_468 = arith.constant 256 : i32
      %scan3A_469 = arith.addi %scan3A_467, %scan3A_468 : i32
      %scan3A_470 = arith.constant 1 : i32
      scf.for %scan3A_492 = %scan3A_467 to %scan3A_469 step %scan3A_470  : i32 {
        %get3A = arith.constant 4 : i32
        %get3A_493 = arith.index_cast %get3A : i32 to index
        %get3A_494 = arith.index_cast %scan3A_492 : i32 to index
        %get3A_495 = arith.constant 0 : index
        %get3A_496 = tpu.vector_load %arg6[%get3A_493, %get3A_494, %get3A_495] {strides = array<i32>} : memref<5x256x64xf32, #tpu.memory_space<vmem>>, vector<1x1x16xf32>,
        %get3A_497 = vector.shape_cast %get3A_496 : vector<1x1x16xf32> to vector<16xf32>
        %mul3A_498 = arith.constant 8.000000e+00 : f32
        %mul3A_499 = vector.broadcast %mul3A_498 : f32 to vector<16xf32>
        %mul3A_500 = arith.mulf %get3A_497, %mul3A_499 : vector<16xf32>
        %swap3A = arith.constant 4 : i32
        %swap3A_501 = arith.index_cast %swap3A : i32 to index
        %swap3A_502 = arith.index_cast %scan3A_492 : i32 to index
        %swap3A_503 = arith.constant 0 : index
        %swap3A_504 = tpu.vector_load %arg6[%swap3A_501, %swap3A_502, %swap3A_503] {strides = array<i32>} : memref<5x256x64xf32, #tpu.memory_space<vmem>>, vector<1x1x16xf32>,
        %swap3A_505 = vector.shape_cast %swap3A_504 : vector<1x1x16xf32> to vector<16xf32>
        %swap3A_506 = vector.shape_cast %mul3A_500 : vector<16xf32> to vector<1x1x16xf32>
        tpu.vector_store %arg6[%swap3A_501, %swap3A_502, %swap3A_503], %swap3A_506 {strides = array<i32>} : memref<5x256x64xf32, #tpu.memory_space<vmem>>, vector<1x1x16xf32>,
        %get3A_507 = arith.constant 4 : i32
        %get3A_508 = arith.index_cast %get3A_507 : i32 to index
        %get3A_509 = arith.index_cast %scan3A_492 : i32 to index
        %get3A_510 = arith.constant 16 : index
        %get3A_511 = tpu.vector_load %arg6[%get3A_508, %get3A_509, %get3A_510] {strides = array<i32>} : memref<5x256x64xf32, #tpu.memory_space<vmem>>, vector<1x1x16xf32>,
        %get3A_512 = vector.shape_cast %get3A_511 : vector<1x1x16xf32> to vector<16xf32>
        %mul3A_513 = arith.constant 8.000000e+00 : f32
        %mul3A_514 = vector.broadcast %mul3A_513 : f32 to vector<16xf32>
        %mul3A_515 = arith.mulf %get3A_512, %mul3A_514 : vector<16xf32>
        %swap3A_516 = arith.constant 4 : i32
        %swap3A_517 = arith.index_cast %swap3A_516 : i32 to index
        %swap3A_518 = arith.index_cast %scan3A_492 : i32 to index
        %swap3A_519 = arith.constant 16 : index
        %swap3A_520 = tpu.vector_load %arg6[%swap3A_517, %swap3A_518, %swap3A_519] {strides = array<i32>} : memref<5x256x64xf32, #tpu.memory_space<vmem>>, vector<1x1x16xf32>,
        %swap3A_521 = vector.shape_cast %swap3A_520 : vector<1x1x16xf32> to vector<16xf32>
        %swap3A_522 = vector.shape_cast %mul3A_515 : vector<16xf32> to vector<1x1x16xf32>
        tpu.vector_store %arg6[%swap3A_517, %swap3A_518, %swap3A_519], %swap3A_522 {strides = array<i32>} : memref<5x256x64xf32, #tpu.memory_space<vmem>>, vector<1x1x16xf32>,
        %get3A_523 = arith.constant 4 : i32
        %get3A_524 = arith.index_cast %get3A_523 : i32 to index
        %get3A_525 = arith.index_cast %scan3A_492 : i32 to index
        %get3A_526 = arith.constant 32 : index
        %get3A_527 = tpu.vector_load %arg6[%get3A_524, %get3A_525, %get3A_526] {strides = array<i32>} : memref<5x256x64xf32, #tpu.memory_space<vmem>>, vector<1x1x16xf32>,
        %get3A_528 = vector.shape_cast %get3A_527 : vector<1x1x16xf32> to vector<16xf32>
        %mul3A_529 = arith.constant 8.000000e+00 : f32
        %mul3A_530 = vector.broadcast %mul3A_529 : f32 to vector<16xf32>
        %mul3A_531 = arith.mulf %get3A_528, %mul3A_530 : vector<16xf32>
        %swap3A_532 = arith.constant 4 : i32
        %swap3A_533 = arith.index_cast %swap3A_532 : i32 to index
        %swap3A_534 = arith.index_cast %scan3A_492 : i32 to index
        %swap3A_535 = arith.constant 32 : index
        %swap3A_536 = tpu.vector_load %arg6[%swap3A_533, %swap3A_534, %swap3A_535] {strides = array<i32>} : memref<5x256x64xf32, #tpu.memory_space<vmem>>, vector<1x1x16xf32>,
        %swap3A_537 = vector.shape_cast %swap3A_536 : vector<1x1x16xf32> to vector<16xf32>
        %swap3A_538 = vector.shape_cast %mul3A_531 : vector<16xf32> to vector<1x1x16xf32>
        tpu.vector_store %arg6[%swap3A_533, %swap3A_534, %swap3A_535], %swap3A_538 {strides = array<i32>} : memref<5x256x64xf32, #tpu.memory_space<vmem>>, vector<1x1x16xf32>,
        %get3A_539 = arith.constant 4 : i32
        %get3A_540 = arith.index_cast %get3A_539 : i32 to index
        %get3A_541 = arith.index_cast %scan3A_492 : i32 to index
        %get3A_542 = arith.constant 48 : index
        %get3A_543 = tpu.vector_load %arg6[%get3A_540, %get3A_541, %get3A_542] {strides = array<i32>} : memref<5x256x64xf32, #tpu.memory_space<vmem>>, vector<1x1x16xf32>,
        %get3A_544 = vector.shape_cast %get3A_543 : vector<1x1x16xf32> to vector<16xf32>
        %mul3A_545 = arith.constant 8.000000e+00 : f32
        %mul3A_546 = vector.broadcast %mul3A_545 : f32 to vector<16xf32>
        %mul3A_547 = arith.mulf %get3A_544, %mul3A_546 : vector<16xf32>
        %swap3A_548 = arith.constant 4 : i32
        %swap3A_549 = arith.index_cast %swap3A_548 : i32 to index
        %swap3A_550 = arith.index_cast %scan3A_492 : i32 to index
        %swap3A_551 = arith.constant 48 : index
        %swap3A_552 = tpu.vector_load %arg6[%swap3A_549, %swap3A_550, %swap3A_551] {strides = array<i32>} : memref<5x256x64xf32, #tpu.memory_space<vmem>>, vector<1x1x16xf32>,
        %swap3A_553 = vector.shape_cast %swap3A_552 : vector<1x1x16xf32> to vector<16xf32>
        %swap3A_554 = vector.shape_cast %mul3A_547 : vector<16xf32> to vector<1x1x16xf32>
        tpu.vector_store %arg6[%swap3A_549, %swap3A_550, %swap3A_551], %swap3A_554 {strides = array<i32>} : memref<5x256x64xf32, #tpu.memory_space<vmem>>, vector<1x1x16xf32>,
      }
      %scan3A_471 = arith.constant 256 : i32
      %mul3A_472 = arith.constant 256 : i32
      %mul3A_473 = arith.muli %add3A_432, %mul3A_472 : i32
      %add3A_474 = arith.addi %multiple_of3A, %mul3A_473 : i32
      %multiple_of3A_475 = tpu.assume_multiple %add3A_474, 8 : i32
      %dma_start3A_476 = arith.constant 4 : i32
      %dma_start3A_477 = arith.constant 4 : i32
      %dma_start3A_478 = arith.constant 0 : i32
      %dma_start3A_479 = arith.constant 0 : i32
      %dma_start3A_480 = tpu.memref_slice %arg6[%dma_start3A_476, %dma_start3A_478, %dma_start3A_479] : memref<5x256x64xf32, #tpu.memory_space<vmem>> -> memref<1x256x64xf32, #tpu.memory_space<vmem>>
      %dma_start3A_481 = tpu.memref_squeeze %dma_start3A_480 : memref<1x256x64xf32, #tpu.memory_space<vmem>> -> memref<256x64xf32, #tpu.memory_space<vmem>>
      %dma_start3A_482 = arith.constant 0 : i32
      %dma_start3A_483 = tpu.memref_slice %arg4[%multiple_of3A_475, %dma_start3A_482] : memref<819200x64xf32, #tpu.memory_space<hbm>> -> memref<256x64xf32, #tpu.memory_space<hbm>>
      %dma_start3A_484 = tpu.memref_slice %arg8[%dma_start3A_477] : memref<5x!tpu.dma_semaphore, #tpu.memory_space<semaphore_mem>> -> memref<1x!tpu.dma_semaphore, #tpu.memory_space<semaphore_mem>>
      %dma_start3A_485 = tpu.memref_squeeze %dma_start3A_484 : memref<1x!tpu.dma_semaphore, #tpu.memory_space<semaphore_mem>> -> memref<!tpu.dma_semaphore, #tpu.memory_space<semaphore_mem>>
      %dma_start3A_486 = arith.constant 0 : i32
      %dma_start3A_487 = tpu.memref_slice %arg4[%multiple_of3A_475, %dma_start3A_486] : memref<819200x64xf32, #tpu.memory_space<hbm>> -> memref<256x64xf32, #tpu.memory_space<hbm>>
      %dma_start3A_488 = arith.constant 0 : i32
      %dma_start3A_489 = arith.constant 0 : i32
      %dma_start3A_490 = tpu.memref_slice %arg6[%dma_start3A_476, %dma_start3A_488, %dma_start3A_489] : memref<5x256x64xf32, #tpu.memory_space<vmem>> -> memref<1x256x64xf32, #tpu.memory_space<vmem>>
      %dma_start3A_491 = tpu.memref_squeeze %dma_start3A_490 : memref<1x256x64xf32, #tpu.memory_space<vmem>> -> memref<256x64xf32, #tpu.memory_space<vmem>>
      tpu.enqueue_dma source(%dma_start3A_491 : memref<256x64xf32, #tpu.memory_space<vmem>>) target(%dma_start3A_487 : memref<256x64xf32, #tpu.memory_space<hbm>>) target_semaphore(%dma_start3A_485 : memref<!tpu.dma_semaphore, #tpu.memory_space<semaphore_mem>>)
    }
    %scan3A_99 = arith.constant 20 : i32
    %dma_wait3A = arith.constant 0 : i32
    %dma_wait3A_100 = arith.constant 0 : i32
    %dma_wait3A_101 = arith.constant 0 : i32
    %dma_wait3A_102 = arith.constant 0 : i32
    %dma_wait3A_103 = tpu.memref_slice %arg6[%dma_wait3A, %dma_wait3A_101, %dma_wait3A_102] : memref<5x256x64xf32, #tpu.memory_space<vmem>> -> memref<1x256x64xf32, #tpu.memory_space<vmem>>
    %dma_wait3A_104 = tpu.memref_squeeze %dma_wait3A_103 : memref<1x256x64xf32, #tpu.memory_space<vmem>> -> memref<256x64xf32, #tpu.memory_space<vmem>>
    %dma_wait3A_105 = arith.constant 0 : i32
    %dma_wait3A_106 = arith.constant 0 : i32
    %dma_wait3A_107 = tpu.memref_slice %arg4[%dma_wait3A_105, %dma_wait3A_106] : memref<819200x64xf32, #tpu.memory_space<hbm>> -> memref<256x64xf32, #tpu.memory_space<hbm>>
    %dma_wait3A_108 = tpu.memref_slice %arg8[%dma_wait3A_100] : memref<5x!tpu.dma_semaphore, #tpu.memory_space<semaphore_mem>> -> memref<1x!tpu.dma_semaphore, #tpu.memory_space<semaphore_mem>>
    %dma_wait3A_109 = tpu.memref_squeeze %dma_wait3A_108 : memref<1x!tpu.dma_semaphore, #tpu.memory_space<semaphore_mem>> -> memref<!tpu.dma_semaphore, #tpu.memory_space<semaphore_mem>>
    %dma_wait3A_110 = arith.constant 0 : i32
    %dma_wait3A_111 = arith.constant 0 : i32
    %dma_wait3A_112 = tpu.memref_slice %arg4[%dma_wait3A_110, %dma_wait3A_111] : memref<819200x64xf32, #tpu.memory_space<hbm>> -> memref<256x64xf32, #tpu.memory_space<hbm>>
    %dma_wait3A_113 = arith.constant 0 : i32
    %dma_wait3A_114 = arith.constant 0 : i32
    %dma_wait3A_115 = tpu.memref_slice %arg6[%dma_wait3A, %dma_wait3A_113, %dma_wait3A_114] : memref<5x256x64xf32, #tpu.memory_space<vmem>> -> memref<1x256x64xf32, #tpu.memory_space<vmem>>
    %dma_wait3A_116 = tpu.memref_squeeze %dma_wait3A_115 : memref<1x256x64xf32, #tpu.memory_space<vmem>> -> memref<256x64xf32, #tpu.memory_space<vmem>>
    tpu.wait_dma2 semaphore(%dma_wait3A_109 : memref<!tpu.dma_semaphore, #tpu.memory_space<semaphore_mem>>) src(%dma_wait3A_116 : memref<256x64xf32, #tpu.memory_space<vmem>>) dst(%dma_wait3A_112 : memref<256x64xf32, #tpu.memory_space<hbm>>)
    %dma_wait3A_117 = arith.constant 1 : i32
    %dma_wait3A_118 = arith.constant 1 : i32
    %dma_wait3A_119 = arith.constant 0 : i32
    %dma_wait3A_120 = arith.constant 0 : i32
    %dma_wait3A_121 = tpu.memref_slice %arg6[%dma_wait3A_117, %dma_wait3A_119, %dma_wait3A_120] : memref<5x256x64xf32, #tpu.memory_space<vmem>> -> memref<1x256x64xf32, #tpu.memory_space<vmem>>
    %dma_wait3A_122 = tpu.memref_squeeze %dma_wait3A_121 : memref<1x256x64xf32, #tpu.memory_space<vmem>> -> memref<256x64xf32, #tpu.memory_space<vmem>>
    %dma_wait3A_123 = arith.constant 0 : i32
    %dma_wait3A_124 = arith.constant 0 : i32
    %dma_wait3A_125 = tpu.memref_slice %arg4[%dma_wait3A_123, %dma_wait3A_124] : memref<819200x64xf32, #tpu.memory_space<hbm>> -> memref<256x64xf32, #tpu.memory_space<hbm>>
    %dma_wait3A_126 = tpu.memref_slice %arg8[%dma_wait3A_118] : memref<5x!tpu.dma_semaphore, #tpu.memory_space<semaphore_mem>> -> memref<1x!tpu.dma_semaphore, #tpu.memory_space<semaphore_mem>>
    %dma_wait3A_127 = tpu.memref_squeeze %dma_wait3A_126 : memref<1x!tpu.dma_semaphore, #tpu.memory_space<semaphore_mem>> -> memref<!tpu.dma_semaphore, #tpu.memory_space<semaphore_mem>>
    %dma_wait3A_128 = arith.constant 0 : i32
    %dma_wait3A_129 = arith.constant 0 : i32
    %dma_wait3A_130 = tpu.memref_slice %arg4[%dma_wait3A_128, %dma_wait3A_129] : memref<819200x64xf32, #tpu.memory_space<hbm>> -> memref<256x64xf32, #tpu.memory_space<hbm>>
    %dma_wait3A_131 = arith.constant 0 : i32
    %dma_wait3A_132 = arith.constant 0 : i32
    %dma_wait3A_133 = tpu.memref_slice %arg6[%dma_wait3A_117, %dma_wait3A_131, %dma_wait3A_132] : memref<5x256x64xf32, #tpu.memory_space<vmem>> -> memref<1x256x64xf32, #tpu.memory_space<vmem>>
    %dma_wait3A_134 = tpu.memref_squeeze %dma_wait3A_133 : memref<1x256x64xf32, #tpu.memory_space<vmem>> -> memref<256x64xf32, #tpu.memory_space<vmem>>
    tpu.wait_dma2 semaphore(%dma_wait3A_127 : memref<!tpu.dma_semaphore, #tpu.memory_space<semaphore_mem>>) src(%dma_wait3A_134 : memref<256x64xf32, #tpu.memory_space<vmem>>) dst(%dma_wait3A_130 : memref<256x64xf32, #tpu.memory_space<hbm>>)
    %dma_wait3A_135 = arith.constant 2 : i32
    %dma_wait3A_136 = arith.constant 2 : i32
    %dma_wait3A_137 = arith.constant 0 : i32
    %dma_wait3A_138 = arith.constant 0 : i32
    %dma_wait3A_139 = tpu.memref_slice %arg6[%dma_wait3A_135, %dma_wait3A_137, %dma_wait3A_138] : memref<5x256x64xf32, #tpu.memory_space<vmem>> -> memref<1x256x64xf32, #tpu.memory_space<vmem>>
    %dma_wait3A_140 = tpu.memref_squeeze %dma_wait3A_139 : memref<1x256x64xf32, #tpu.memory_space<vmem>> -> memref<256x64xf32, #tpu.memory_space<vmem>>
    %dma_wait3A_141 = arith.constant 0 : i32
    %dma_wait3A_142 = arith.constant 0 : i32
    %dma_wait3A_143 = tpu.memref_slice %arg4[%dma_wait3A_141, %dma_wait3A_142] : memref<819200x64xf32, #tpu.memory_space<hbm>> -> memref<256x64xf32, #tpu.memory_space<hbm>>
    %dma_wait3A_144 = tpu.memref_slice %arg8[%dma_wait3A_136] : memref<5x!tpu.dma_semaphore, #tpu.memory_space<semaphore_mem>> -> memref<1x!tpu.dma_semaphore, #tpu.memory_space<semaphore_mem>>
    %dma_wait3A_145 = tpu.memref_squeeze %dma_wait3A_144 : memref<1x!tpu.dma_semaphore, #tpu.memory_space<semaphore_mem>> -> memref<!tpu.dma_semaphore, #tpu.memory_space<semaphore_mem>>
    %dma_wait3A_146 = arith.constant 0 : i32
    %dma_wait3A_147 = arith.constant 0 : i32
    %dma_wait3A_148 = tpu.memref_slice %arg4[%dma_wait3A_146, %dma_wait3A_147] : memref<819200x64xf32, #tpu.memory_space<hbm>> -> memref<256x64xf32, #tpu.memory_space<hbm>>
    %dma_wait3A_149 = arith.constant 0 : i32
    %dma_wait3A_150 = arith.constant 0 : i32
    %dma_wait3A_151 = tpu.memref_slice %arg6[%dma_wait3A_135, %dma_wait3A_149, %dma_wait3A_150] : memref<5x256x64xf32, #tpu.memory_space<vmem>> -> memref<1x256x64xf32, #tpu.memory_space<vmem>>
    %dma_wait3A_152 = tpu.memref_squeeze %dma_wait3A_151 : memref<1x256x64xf32, #tpu.memory_space<vmem>> -> memref<256x64xf32, #tpu.memory_space<vmem>>
    tpu.wait_dma2 semaphore(%dma_wait3A_145 : memref<!tpu.dma_semaphore, #tpu.memory_space<semaphore_mem>>) src(%dma_wait3A_152 : memref<256x64xf32, #tpu.memory_space<vmem>>) dst(%dma_wait3A_148 : memref<256x64xf32, #tpu.memory_space<hbm>>)
    %dma_wait3A_153 = arith.constant 3 : i32
    %dma_wait3A_154 = arith.constant 3 : i32
    %dma_wait3A_155 = arith.constant 0 : i32
    %dma_wait3A_156 = arith.constant 0 : i32
    %dma_wait3A_157 = tpu.memref_slice %arg6[%dma_wait3A_153, %dma_wait3A_155, %dma_wait3A_156] : memref<5x256x64xf32, #tpu.memory_space<vmem>> -> memref<1x256x64xf32, #tpu.memory_space<vmem>>
    %dma_wait3A_158 = tpu.memref_squeeze %dma_wait3A_157 : memref<1x256x64xf32, #tpu.memory_space<vmem>> -> memref<256x64xf32, #tpu.memory_space<vmem>>
    %dma_wait3A_159 = arith.constant 0 : i32
    %dma_wait3A_160 = arith.constant 0 : i32
    %dma_wait3A_161 = tpu.memref_slice %arg4[%dma_wait3A_159, %dma_wait3A_160] : memref<819200x64xf32, #tpu.memory_space<hbm>> -> memref<256x64xf32, #tpu.memory_space<hbm>>
    %dma_wait3A_162 = tpu.memref_slice %arg8[%dma_wait3A_154] : memref<5x!tpu.dma_semaphore, #tpu.memory_space<semaphore_mem>> -> memref<1x!tpu.dma_semaphore, #tpu.memory_space<semaphore_mem>>
    %dma_wait3A_163 = tpu.memref_squeeze %dma_wait3A_162 : memref<1x!tpu.dma_semaphore, #tpu.memory_space<semaphore_mem>> -> memref<!tpu.dma_semaphore, #tpu.memory_space<semaphore_mem>>
    %dma_wait3A_164 = arith.constant 0 : i32
    %dma_wait3A_165 = arith.constant 0 : i32
    %dma_wait3A_166 = tpu.memref_slice %arg4[%dma_wait3A_164, %dma_wait3A_165] : memref<819200x64xf32, #tpu.memory_space<hbm>> -> memref<256x64xf32, #tpu.memory_space<hbm>>
    %dma_wait3A_167 = arith.constant 0 : i32
    %dma_wait3A_168 = arith.constant 0 : i32
    %dma_wait3A_169 = tpu.memref_slice %arg6[%dma_wait3A_153, %dma_wait3A_167, %dma_wait3A_168] : memref<5x256x64xf32, #tpu.memory_space<vmem>> -> memref<1x256x64xf32, #tpu.memory_space<vmem>>
    %dma_wait3A_170 = tpu.memref_squeeze %dma_wait3A_169 : memref<1x256x64xf32, #tpu.memory_space<vmem>> -> memref<256x64xf32, #tpu.memory_space<vmem>>
    tpu.wait_dma2 semaphore(%dma_wait3A_163 : memref<!tpu.dma_semaphore, #tpu.memory_space<semaphore_mem>>) src(%dma_wait3A_170 : memref<256x64xf32, #tpu.memory_space<vmem>>) dst(%dma_wait3A_166 : memref<256x64xf32, #tpu.memory_space<hbm>>)
    %dma_wait3A_171 = arith.constant 4 : i32
    %dma_wait3A_172 = arith.constant 4 : i32
    %dma_wait3A_173 = arith.constant 0 : i32
    %dma_wait3A_174 = arith.constant 0 : i32
    %dma_wait3A_175 = tpu.memref_slice %arg6[%dma_wait3A_171, %dma_wait3A_173, %dma_wait3A_174] : memref<5x256x64xf32, #tpu.memory_space<vmem>> -> memref<1x256x64xf32, #tpu.memory_space<vmem>>
    %dma_wait3A_176 = tpu.memref_squeeze %dma_wait3A_175 : memref<1x256x64xf32, #tpu.memory_space<vmem>> -> memref<256x64xf32, #tpu.memory_space<vmem>>
    %dma_wait3A_177 = arith.constant 0 : i32
    %dma_wait3A_178 = arith.constant 0 : i32
    %dma_wait3A_179 = tpu.memref_slice %arg4[%dma_wait3A_177, %dma_wait3A_178] : memref<819200x64xf32, #tpu.memory_space<hbm>> -> memref<256x64xf32, #tpu.memory_space<hbm>>
    %dma_wait3A_180 = tpu.memref_slice %arg8[%dma_wait3A_172] : memref<5x!tpu.dma_semaphore, #tpu.memory_space<semaphore_mem>> -> memref<1x!tpu.dma_semaphore, #tpu.memory_space<semaphore_mem>>
    %dma_wait3A_181 = tpu.memref_squeeze %dma_wait3A_180 : memref<1x!tpu.dma_semaphore, #tpu.memory_space<semaphore_mem>> -> memref<!tpu.dma_semaphore, #tpu.memory_space<semaphore_mem>>
    %dma_wait3A_182 = arith.constant 0 : i32
    %dma_wait3A_183 = arith.constant 0 : i32
    %dma_wait3A_184 = tpu.memref_slice %arg4[%dma_wait3A_182, %dma_wait3A_183] : memref<819200x64xf32, #tpu.memory_space<hbm>> -> memref<256x64xf32, #tpu.memory_space<hbm>>
    %dma_wait3A_185 = arith.constant 0 : i32
    %dma_wait3A_186 = arith.constant 0 : i32
    %dma_wait3A_187 = tpu.memref_slice %arg6[%dma_wait3A_171, %dma_wait3A_185, %dma_wait3A_186] : memref<5x256x64xf32, #tpu.memory_space<vmem>> -> memref<1x256x64xf32, #tpu.memory_space<vmem>>
    %dma_wait3A_188 = tpu.memref_squeeze %dma_wait3A_187 : memref<1x256x64xf32, #tpu.memory_space<vmem>> -> memref<256x64xf32, #tpu.memory_space<vmem>>
    tpu.wait_dma2 semaphore(%dma_wait3A_181 : memref<!tpu.dma_semaphore, #tpu.memory_space<semaphore_mem>>) src(%dma_wait3A_188 : memref<256x64xf32, #tpu.memory_space<vmem>>) dst(%dma_wait3A_184 : memref<256x64xf32, #tpu.memory_space<hbm>>)
    return
  }
}

</mosaic_0001>

<sc_bundles>
// kernel: kernel.3.cloned.1.call-start
scs
__scs_entry_jumppad:
0x0: {  	(pc) =	sbr.rel $0x88, $3  }
0x1: {  	(tag) =	ssettag $0x0;
	lr =	simm.s32 $0x1  }
0x2: {  	[smem:$0x3F9F] =	sst lr;
	_ =	strace $0xD0000000  }
0x3: {  	_ = 	snop  }
0x4: {  	_ = 	snop  }
0x5: {  	_ = 	snop  }
0x6: {  	_ = 	snop  }
0x7: {  	_ = 	snop  }
__scs_overlays_trampoline_lowered:
0x8: {  	[smem:$0x3FAE] =	sst s0  }
0x9: {  	[smem:$0x3FAF] =	sst s1  }
0xa: {  	[smem:$0x3FB0] =	sst s2  }
0xb: {  	[smem:$0x3FB1] =	sst s3  }
0xc: {  	[smem:$0x3FB2] =	sst s4  }
0xd: {  	[smem:$0x3FB3] =	sst s5  }
0xe: {  	[smem:$0x3FB4] =	sst s6  }
0xf: {  	[smem:$0x3FB5] =	sst s7  }
0x10: {  	[smem:$0x3FB6] =	sst s8  }
0x11: {  	[smem:$0x3FB7] =	sst s9;
	s0 =	simm.s32 @!p0 $0x0  }
0x12: {  	s1 =	sld [smem:$0x3F9D];
	s0 =	simm.s32 @p0 $0x1  }
0x13: {  	[smem:$0x3FB8] =	sst s0;
	s0 =	simm.s32 @!p1 $0x0  }
0x14: {  	s2 =	sld [smem:$0x3F9C];
	s0 =	simm.s32 @p1 $0x1  }
0x15: {  	[smem:$0x3FB9] =	sst s0;
	s0 =	simm.s32 @!p2 $0x0  }
0x16: {  	s3 =	sld [smem:$0x3FDB];
	s0 =	simm.s32 @p2 $0x1  }
0x17: {  	s4 =	simm.s32 $0x1BF5;
	[smem:$0x3FBB] =	sst s0  }
0x18: {  	s0 =	sld [smem:$0x3F9E];
	_ =	swait.ge [sflag:s4], $0x0  }
0x19: {  	s7 =	sld [smem:$0x3F9F]  }
0x1a: {  	s8 =	sadd.s32 $0xFFFFE003, lr  }
0x1b: {  	s9 =	sadd.s32 $0xFFFFFEF7, lr;
	s5 =	simm.s32 $0xFFFFFFFF;
	p2 =	slt.u32 s8, $0xFFFFF086  }
0x1c: {  	p1 =	slt.u32 s9, $0xF7A;
	s5 =	simm.s32 @!p2 $0x0  }
0x1d: {  	s5 =	simm.s32 @p1 $0x1;
	p0 =	seq.s32 s7, s2  }
0x1e: {  	s7 =	smul.u32 @!p0 $0xF7A, s2;
	p2 =	seq.s32 @!p0 s5, $0x0  }
0x1f: {  	s9 =	smul.u32 $0xF7A, s1;
	s8 =	simm.s32 @!p0 $0x1BF5;
	p2 =	por !p2, p0  }
0x20: {  	[sflag:s8] =	ssyncset.s32 @!p0 $0xFFFFF086;
	s6 =	sadd.s32 @!p0 s3, s7;
	s7 =	simm.s32 @!p0 $0x108  }
0x21: {  	s3 =	sadd.s32 s3, s9;
	s6 =	sadd.s32 @!p0 $0x88, s6;
	s7 =	simm.s32 @p2 $0x1082  }
0x22: {  	[simem:s7], [sflag:s8] =	dma.local @!p0 [hbm:s6], $0xF7A  }
0x23: {  	s9 =	sor.u32 $0xD0000000, s2;
	s6 =	simm.s32 $0x108;
	_ =	swait.ge @!p0 [sflag:s8], $0x0  }
0x24: {  	s3 =	sadd.s32 $0x88, s3;
	s6 =	simm.s32 @!p1 $0x1082;
	[sflag:s4] =	ssyncset.s32 $0xFFFFF086  }
0x25: {  	[simem:s6], [sflag:s4] =	dma.local [hbm:s3], $0xF7A  }
0x26: {  	[smem:$0x3F9F] =	sst s1;
	(tag) =	ssettag s2;
	_ =	strace s9  }
0x27: {  	s1 =	sld [smem:$0x3FAF]  }
0x28: {  	s2 =	sld [smem:$0x3FB0]  }
0x29: {  	s4 =	sld [smem:$0x3FB2]  }
0x2a: {  	p0 =	seq.s32 s5, $0x0;
	s5 =	sld [smem:$0x3FB3]  }
0x2b: {  	s6 =	sld [smem:$0x3FB4]  }
0x2c: {  	s7 =	sld [smem:$0x3FB5]  }
0x2d: {  	s3 =	simm.s32 $0x108;
	s8 =	sld [smem:$0x3FB6]  }
0x2e: {  	s3 =	simm.s32 @!p0 $0x1082;
	s9 =	sld [smem:$0x3FB7]  }
0x2f: {  	lr =	sadd.s32 s0, s3;
	s0 =	sld [smem:$0x3FAE]  }
0x30: {  	s3 =	sld [smem:$0x3FB1]  }
0x31: {  	[smem:$0x3FBA] =	sst s10  }
0x32: {  	s10 =	sld [smem:$0x3FB8];
	_ =	sdelay $0x3  }
0x33: {  	p0 =	seq.s32 s10, $0x1;
	s10 =	sld [smem:$0x3FBA];
	_ =	sdelay $0x3  }
0x34: {  	[smem:$0x3FBA] =	sst s10  }
0x35: {  	s10 =	sld [smem:$0x3FB9];
	_ =	sdelay $0x3  }
0x36: {  	p1 =	seq.s32 s10, $0x1;
	s10 =	sld [smem:$0x3FBA];
	_ =	sdelay $0x3  }
0x37: {  	[smem:$0x3FBA] =	sst s10  }
0x38: {  	s10 =	sld [smem:$0x3FBB]  }
0x39: {  	_ = 	snop;
	(pc) =	sbr.ind lr, $3  }
0x3a: {  	_ = 	snop  }
0x3b: {  	_ = 	snop  }
0x3c: {  	p2 =	seq.s32 s10, $0x1;
	s10 =	sld [smem:$0x3FBA]  }
0x3d: {  	_ =	shalt  }
0x3e: {  	_ =	shalt  }
0x3f: {  	_ =	shalt  }
0x40: {  	_ =	shalt  }
0x41: {  	_ =	shalt  }
0x42: {  	_ =	shalt  }
0x43: {  	_ =	shalt  }
0x44: {  	_ =	shalt  }
0x45: {  	_ =	shalt  }
0x46: {  	_ =	shalt  }
0x47: {  	_ =	shalt  }
0x48: {  	_ =	shalt  }
0x49: {  	_ =	shalt  }
0x4a: {  	_ =	shalt  }
0x4b: {  	_ =	shalt  }
0x4c: {  	_ =	shalt  }
0x4d: {  	_ =	shalt  }
0x4e: {  	_ =	shalt  }
0x4f: {  	_ =	shalt  }
0x50: {  	_ =	shalt  }
0x51: {  	_ =	shalt  }
0x52: {  	_ =	shalt  }
0x53: {  	_ =	shalt  }
0x54: {  	_ =	shalt  }
0x55: {  	_ =	shalt  }
0x56: {  	_ =	shalt  }
0x57: {  	_ =	shalt  }
0x58: {  	_ =	shalt  }
0x59: {  	_ =	shalt  }
0x5a: {  	_ =	shalt  }
0x5b: {  	_ =	shalt  }
0x5c: {  	_ =	shalt  }
0x5d: {  	_ =	shalt  }
0x5e: {  	_ =	shalt  }
0x5f: {  	_ =	shalt  }
0x60: {  	_ =	shalt  }
0x61: {  	_ =	shalt  }
0x62: {  	_ =	shalt  }
0x63: {  	_ =	shalt  }
0x64: {  	_ =	shalt  }
0x65: {  	_ =	shalt  }
0x66: {  	_ =	shalt  }
0x67: {  	_ =	shalt  }
0x68: {  	_ =	shalt  }
0x69: {  	_ =	shalt  }
0x6a: {  	_ =	shalt  }
0x6b: {  	_ =	shalt  }
0x6c: {  	_ =	shalt  }
0x6d: {  	_ =	shalt  }
0x6e: {  	_ =	shalt  }
0x6f: {  	_ =	shalt  }
0x70: {  	_ =	shalt  }
0x71: {  	_ =	shalt  }
0x72: {  	_ =	shalt  }
0x73: {  	_ =	shalt  }
0x74: {  	_ =	shalt  }
0x75: {  	_ =	shalt  }
0x76: {  	_ =	shalt  }
0x77: {  	_ =	shalt  }
0x78: {  	_ =	shalt  }
0x79: {  	_ =	shalt  }
0x7a: {  	_ =	shalt  }
0x7b: {  	_ =	shalt  }
0x7c: {  	_ =	shalt  }
0x7d: {  	_ =	shalt  }
0x7e: {  	_ =	shalt  }
0x7f: {  	_ =	shalt  }
0x80: {  	_ =	shalt  }
0x81: {  	_ =	shalt  }
0x82: {  	_ =	shalt  }
0x83: {  	_ =	shalt  }
0x84: {  	_ =	shalt  }
0x85: {  	_ =	shalt  }
0x86: {  	_ =	shalt  }
0x87: {  	_ =	shalt  }
.Lfunc_end0:
.L_simem_size_0:
called_computation.1_lowered:
.L_overlay_start_0:
0x88: {  	s2 =	sld [smem:$0x3FD9]  }
0x89: {  	s3 =	sld [smem:$0x3FFE];
	_ =	sdelay $0x1  }
0x8a: {  	s1 =	srdreg.scid  }
0x8b: {  	s0 =	sand.u32 $0x1, s1  }
0x8c: {  	s17 =	sshll.u32 s0, $0xA;
	s2 =	sadd.s32 s3, s2  }
0x8d: {  	s2 =	sadd.s32 s2, s17  }
0x8e: {  	[smem:$0x3FC6] =	sst s2  }
0x8f: {  	_ = 	snop  }
0x90: {  	s2 =	sld [smem:$0x3FD0];
	(tm) =	ssettm $0x1  }
0x91: {  	s18 =	sld [smem:$0x3FFB];
	_ =	sdelay $0x3  }
0x92: {  	_ =	strace s18  }
0x93: {  	s3 =	sld [smem:$0x3FFC];
	_ =	sdelay $0x3  }
0x94: {  	_ =	strace s3  }
0x95: {  	s3 =	sld [smem:$0x3FFD];
	_ =	sdelay $0x3  }
0x96: {  	_ =	strace s3  }
0x97: {  	_ =	strace $0x8FFFFFFF  }
0x98: {  	s19 =	sld [smem:$0x3FDB];
	_ =	sdelay $0x1  }
0x99: {  	s4 =	simm.s32 $_scs_section_size  }
0x9a: {  	s5 =	simm.s32 $_size__tile_overlayer_lowered;
	s6 =	simm.s32 $_tile_overlayer_lowered  }
0x9b: {  	s22 =	simm.s32 $0x1BFF;
	s21 =	sshll.u32 s6, $0x1;
	s3 =	sadd.s32 s4, s19  }
0x9c: {  	s7 =	simm.s32 $0x0;
	s20 =	sshll.u32 s5, $0x1;
	s5 =	sadd.s32 s21, s3  }
0x9d: {  	[timem:s7], [sflag:s22] =	dma.local [hbm:s5], s20  }
0x9e: {  	_ =	swait.ge [sflag:s22], s20  }
0x9f: {  	s4 =	ssub.s32 $0x0, s20;
	[sflag:s22] =	ssyncset.done $0x0  }
0xa0: {  	[sflag:s22] =	ssyncadd.s32 s4;
	_ =	sdelay $0x1  }
0xa1: {  	s23 =	simm.s32 $0x1B8B  }
0xa2: {  	_ =	swait.ge [sflag:s23], $0x1  }
0xa3: {  	[sflag:s23] =	ssyncset.done $0x0  }
0xa4: {  	s25 =	simm.s32 $0x1B8E;
	s24 =	sld [smem:$0x3FFE];
	[sflag:s23] =	ssyncadd.s32 $0xFFFFFFFF  }
0xa5: {  	s26 =	simm.s32 $execute0_lowered;
	[smem:$0x3FD2] =	sst s25  }
0xa6: {  	s5 =	sshll.u32 s26, $0x1;
	_ =	strace $0x80000046;
	[dreg:$0x1] =	wrdreg $0xFFFFFFFF  }
0xa7: {  	s28 =	simm.s32 $_size_execute0_lowered;
	s3 =	sadd.s32 s3, s5;
	[dreg:$0x0] =	wrdreg $0x0  }
0xa8: {  	s5 =	sshll.u32 s28, $0x1;
	[dreg:$0x2] =	wrdreg s3  }
0xa9: {  	[dreg:$0x3] =	wrdreg s5  }
0xaa: {  	[dreg:$0x4] =	wrdreg $0xC0  }
0xab: {  	_ =	task [dreg:s7], $0x5FFFF  }
0xac: {  	[dreg:$0x1] =	wrdreg $0xFFFFFFFF  }
0xad: {  	[dreg:$0x0] =	wrdreg $0x60  }
0xae: {  	[dreg:$0x2] =	wrdreg s24  }
0xaf: {  	[dreg:$0x3] =	wrdreg s2  }
0xb0: {  	[dreg:$0x4] =	wrdreg $0x9  }
0xb1: {  	_ =	task.clear_ibuf [dreg:s7], $0x5FFFF;
	_ =	strace $0x90000046  }
0xb2: {  	s29 =	simm.s32 $0x9;
	_ =	strace $0x80000048  }
0xb3: {  	_ =	swait.ge [sflag:s29], $0x1  }
0xb4: {  	[sflag:s29] =	ssyncadd.s32 $0xFFFFFFFF  }
0xb5: {  	_ =	strace $0x90000048  }
0xb6: {  	_ =	sfence  }
0xb7: {  	s30 =	sld [smem:$0x0];
	_ =	sdelay $0x2  }
0xb8: {  	s31 =	sshll.u32 s1, $0xD;
	s1 =	sshrl.u32 s1, $0x2  }
0xb9: {  	s3 =	sand.u32 $0x4000, s31;
	s1 =	sadd.s32 s1, s30  }
0xba: {  	s0 =	sor.u32 s3, s0;
	s1 =	sshll.u32 s1, $0x11  }
0xbb: {  	s0 =	sor.u32 s1, s0  }
0xbc: {  	s0 =	sadd.s32 $0x8F2B, s0  }
0xbd: {  	[sflag:s0] =	ssyncadd.remote.s32 $0x1  }
0xbe: {  	_ =	sfence.sel $0xFFFF  }
0xbf: {  	[dreg:$0x0] =	wrdreg $0xFFFFFFFF;
	(pc) =	sbr.abs _section_cstart, $3  }
0xc0: {  	[dreg:$0x1] =	wrdreg $0xFFFFFFFF  }
0xc1: {  	_ =	task.clear_ibuf [dreg:s7], $0x2FFFF;
	_ =	strace $0x9FFFFFFF  }
0xc2: {  	(tm) =	ssettm $0x7FFFFFFF  }
0xc3: {  	_ =	shalt  }
tec
execute0_lowered:
.L_overlay_start_1:
0x0: {  	(tag) =	ssettag $0x1  }
0x1: {  	s0 =	rddreg [dreg:$0x0];
	s1 =	srdreg.scid  }
0x2: {  	s3 =	stileid.u32;
	s2 =	rddreg [dreg:$0x1]  }
0x3: {  	s12 =	simm.s32 $0x80;
	s13 =	simm.s32 $0x6400;
	s16 =	simm.s32 $0xA400  }
0x4: {  	s20 =	simm.s32 $0xE400;
	s23 =	simm.s32 $0x12400;
	s24 =	simm.s32 $0x14400  }
0x5: {  	s28 =	simm.s32 $0x18400;
	s29 =	simm.s32 $0x2;
	s30 =	simm.s32 $0x3  }
0x6: {  	s31 =	simm.s32 $0x4;
	s1 =	sand.u32 $0x1, s1;
	s4 =	sshll.u32 s3, $0x1  }
0x7: {  	s17 =	simm.s32 $0x9;
	s18 =	simm.s32 $0xA;
	s6 =	sor.u32 s1, s4  }
0x8: {  	s19 =	simm.s32 $0x0;
	s3 =	simm.s32 $0x0;
	s5 =	smul.u32 $0xC80, s6  }
0x9: {  	[smem:$0x7FF] =	sst s3;
	s1 =	ssub.s32 $0x2, s1;
	s4 =	smul.u32 $0x6400, s6  }
0xa: {  	_ =	strace $0x80000047;
	s25 =	sshrl.u32 s1, $0x1;
	s9 =	smul.u32 $0x190000, s6  }
0xb: {  	s7 =	sadd.s32 s5, s0;
	s5 =	sadd.s32 $0xF42E00, s0;
	s0 =	ssub.s32 s1, s25  }
0xc: {  	s8 =	sor.u32 $0x200, s4;
	s25 =	simm.s32 $0x1;
	s26 =	sadd.s32 $0xA00, s7  }
0xd: {  	s1 =	simm.s32 $0x5;
	s0 =	smax.u32 s0, $0x1;
	[dreg:$0x3] =	wrdreg s26  }
0xe: {  	s7 =	sor.u32 $0x100, s4;
	[dreg:$0x4] =	wrdreg s0;
	s26 =	simm.s32 $0x16400  }
.LBB2_1:
0xf: {  	s0 =	rddreg [dreg:$0x3];
	s6 =	simm.s32 $0xB  }
0x10: {  	[tilespmem:s3], [sflag:$0xB] =	stream.linear.gather [hbm4b:s0+s3], $0x6400, $0x38;
	[tilespmem:$0x1A400] =	vst v63  }
0x11: {  	_ =	swait.ge [sflag:s6], $0x6400  }
0x12: {  	[sflag:s6] =	ssyncset.done $0x0  }
0x13: {  	[sflag:s6] =	ssyncadd.s32 $0xFFFF9C00  }
0x14: {  	[tilespmem:s13], [sflag:$0x1] =	stream.indirect.gather [hbm4b:s5+s12], $0x40, s3, s12, $0xb8;
	[tilespmem:$0x1A400] =	vst v63  }
0x15: {  	s10 =	simm.s32 $0x8400  }
0x16: {  	[tilespmem:s10], [sflag:$0x1] =	stream.indirect.gather [hbm4b:s5+s12], $0x40, s12, s12, $0xb8;
	[tilespmem:$0x1A400] =	vst v63  }
0x17: {  	s11 =	simm.s32 $0x100  }
0x18: {  	[tilespmem:s16], [sflag:$0x2] =	stream.indirect.gather [hbm4b:s5+s12], $0x40, s11, s12, $0xb8;
	[tilespmem:$0x1A400] =	vst v63  }
0x19: {  	s14 =	simm.s32 $0x180;
	s6 =	simm.s32 $0xC400  }
0x1a: {  	[tilespmem:s6], [sflag:$0x2] =	stream.indirect.gather [hbm4b:s5+s12], $0x40, s14, s12, $0xb8;
	[tilespmem:$0x1A400] =	vst v63  }
0x1b: {  	s15 =	simm.s32 $0x200  }
0x1c: {  	[tilespmem:s20], [sflag:$0x3] =	stream.indirect.gather [hbm4b:s5+s12], $0x40, s15, s12, $0xb8;
	[tilespmem:$0x1A400] =	vst v63  }
0x1d: {  	s21 =	simm.s32 $0x280;
	s22 =	simm.s32 $0x10400  }
0x1e: {  	[tilespmem:s22], [sflag:$0x3] =	stream.indirect.gather [hbm4b:s5+s12], $0x40, s21, s12, $0xb8;
	[tilespmem:$0x1A400] =	vst v63  }
0x1f: {  	s21 =	simm.s32 $0x0  }
.LBB2_2:
0x20: {  	s6 =	smul.u32 $0x5, s21;
	_ =	sdelay $0x1  }
0x21: {  	s0 =	sadd.s32 $0xFFFFFFFE, s6  }
0x22: {  	p0 =	sgt.u32 s0, $0x5E  }
0x23: {  	s0 =	simm.s32 @!p0 $0x9  }
0x24: {  	s22 =	sadd.s32 $0x3, s6;
	_ =	swait.ge @!p0 [sflag:s0], $0x4000  }
0x25: {  	s10 =	sshll.u32 s22, $0x8;
	[sflag:s0] =	ssyncset.done @!p0 $0x0  }
0x26: {  	s15 =	sand.u32 $0x3FFFFF00, s10;
	[sflag:s0] =	ssyncadd.s32 @!p0 $0xFFFFC000  }
0x27: {  	[tilespmem:s23], [sflag:$0x4] =	stream.indirect.gather [hbm4b:s5+s12], $0x40, s15, s12, $0xb8;
	[tilespmem:$0x1A400] =	vst v63  }
0x28: {  	s0 =	sor.u32 $0x80, s15  }
0x29: {  	[tilespmem:s24], [sflag:$0x4] =	stream.indirect.gather [hbm4b:s5+s12], $0x40, s0, s12, $0xb8;
	[tilespmem:$0x1A400] =	vst v63  }
0x2a: {  	_ =	swait.ge [sflag:s25], $0x4000  }
0x2b: {  	[sflag:s25] =	ssyncset.done $0x0  }
0x2c: {  	s11 =	simm.s32 $0x0;
	[sflag:s25] =	ssyncadd.s32 $0xFFFFC000  }
0x2d: {  	v1 =	vld [tilespmem:s11+$0x6400]  }
0x2e: {  	v2 =	vld [tilespmem:s11+$0x6410]  }
0x2f: {  	s0 =	simm.s32 $0x100;
	v0 =	vld [tilespmem:s11+$0x6420]  }
.LBB2_3:
0x30: {  	p0 =	sne.s32 s0, $0xFF00;
	v3 =	vld [tilespmem:s11+$0x6430];
	_ =	sdelay $0x1  }
0x31: {  	v1 =	vmul.f32 $8.000000000e+00, v1  }
.Ltmp0:
0x32: {  	v2 =	vmul.f32 $8.000000000e+00, v2;
	(pc) =	sbr.rel @p0 .LBB2_3-.Ltmp0, $4  }
0x33: {  	s10 =	sshra.s32 s0, $0x2;
	[tilespmem:s11+$0x6400] =	vst v1;
	v0 =	vmul.f32 $8.000000000e+00, v0  }
0x34: {  	v1 =	vld [tilespmem:s10+$0x6400];
	[tilespmem:s11+$0x6410] =	vst v2;
	v3 =	vmul.f32 $8.000000000e+00, v3  }
0x35: {  	v2 =	vld [tilespmem:s10+$0x6410];
	[tilespmem:s11+$0x6420] =	vst v0  }
0x36: {  	s0 =	sadd.s32 $0x100, s0;
	v0 =	vld [tilespmem:s10+$0x6420];
	[tilespmem:s11+$0x6430] =	vst v3;
	s11 =	smov.u32 s10  }
0x37: {  	v3 =	vld [tilespmem:s11+$0x6430];
	_ =	sdelay $0x1  }
0x38: {  	v1 =	vmul.f32 $8.000000000e+00, v1  }
0x39: {  	s10 =	smul.u32 $0x500, s21;
	v2 =	vmul.f32 $8.000000000e+00, v2  }
0x3a: {  	[tilespmem:s11+$0x6400] =	vst v1;
	v0 =	vmul.f32 $8.000000000e+00, v0  }
0x3b: {  	s0 =	sadd.s32 s4, s10;
	[tilespmem:s11+$0x6410] =	vst v2;
	v1 =	vmul.f32 $8.000000000e+00, v3  }
0x3c: {  	s0 =	sshll.u32 s0, $0x3;
	[tilespmem:s11+$0x6420] =	vst v0  }
0x3d: {  	s0 =	sadd.s32 s2, s0;
	[tilespmem:s11+$0x6430] =	vst v1;
	s11 =	sadd.s32 $0xFFFFFFFF, s6  }
0x3e: {  	[hbm4b:s0+s3] =	stream.linear.scatter [tilespmem:s13], [sflag:$0x6], $0x4000, $0x38;
	[tilespmem:$0x1A400] =	vst v63  }
0x3f: {  	p0 =	sgt.u32 s11, $0x5E  }
0x40: {  	s0 =	simm.s32 @!p0 $0xA  }
0x41: {  	s6 =	sadd.s32 $0x4, s6;
	_ =	swait.ge @!p0 [sflag:s0], $0x4000  }
0x42: {  	s14 =	sshll.u32 s6, $0x8;
	[sflag:s0] =	ssyncset.done @!p0 $0x0  }
0x43: {  	s15 =	sand.u32 $0x3FFFFF00, s14;
	[sflag:s0] =	ssyncadd.s32 @!p0 $0xFFFFC000  }
0x44: {  	[tilespmem:s26], [sflag:$0x5] =	stream.indirect.gather [hbm4b:s5+s12], $0x40, s15, s12, $0xb8;
	[tilespmem:$0x1A400] =	vst v63  }
0x45: {  	s0 =	sor.u32 $0x80, s15  }
0x46: {  	[tilespmem:s28], [sflag:$0x5] =	stream.indirect.gather [hbm4b:s5+s12], $0x40, s0, s12, $0xb8;
	[tilespmem:$0x1A400] =	vst v63  }
0x47: {  	_ =	swait.ge [sflag:s29], $0x4000  }
0x48: {  	[sflag:s29] =	ssyncset.done $0x0  }
0x49: {  	s11 =	simm.s32 $0xFFFFC000;
	[sflag:s29] =	ssyncadd.s32 $0xFFFFC000  }
0x4a: {  	v0 =	vld [tilespmem:s11+$0xE400]  }
0x4b: {  	v2 =	vld [tilespmem:s11+$0xE410]  }
0x4c: {  	s0 =	simm.s32 $0xFFFF0100;
	v1 =	vld [tilespmem:s11+$0xE420]  }
.LBB2_5:
0x4d: {  	p0 =	sne.s32 s0, $0xFFFFFF00;
	v3 =	vld [tilespmem:s11+$0xE430];
	_ =	sdelay $0x1  }
0x4e: {  	v0 =	vmul.f32 $8.000000000e+00, v0  }
.Ltmp1:
0x4f: {  	v2 =	vmul.f32 $8.000000000e+00, v2;
	(pc) =	sbr.rel @p0 .LBB2_5-.Ltmp1, $4  }
0x50: {  	s14 =	sshra.s32 s0, $0x2;
	[tilespmem:s11+$0xE400] =	vst v0;
	v1 =	vmul.f32 $8.000000000e+00, v1  }
0x51: {  	v0 =	vld [tilespmem:s14+$0xE400];
	[tilespmem:s11+$0xE410] =	vst v2;
	v3 =	vmul.f32 $8.000000000e+00, v3  }
0x52: {  	v2 =	vld [tilespmem:s14+$0xE410];
	[tilespmem:s11+$0xE420] =	vst v1  }
0x53: {  	s0 =	sadd.s32 $0x100, s0;
	v1 =	vld [tilespmem:s14+$0xE420];
	[tilespmem:s11+$0xE430] =	vst v3;
	s11 =	smov.u32 s14  }
0x54: {  	v3 =	vld [tilespmem:s11+$0xE430];
	_ =	sdelay $0x1  }
0x55: {  	v0 =	vmul.f32 $8.000000000e+00, v0  }
0x56: {  	v2 =	vmul.f32 $8.000000000e+00, v2  }
0x57: {  	s0 =	sadd.s32 s10, s7;
	[tilespmem:s11+$0xE400] =	vst v0;
	v0 =	vmul.f32 $8.000000000e+00, v1  }
0x58: {  	s0 =	sshll.u32 s0, $0x3;
	[tilespmem:s11+$0xE410] =	vst v2;
	v1 =	vmul.f32 $8.000000000e+00, v3  }
0x59: {  	s0 =	sand.u32 $0x1FFFF800, s0;
	[tilespmem:s11+$0xE420] =	vst v0  }
0x5a: {  	p0 =	seq.s32 s21, $0x13;
	s0 =	sadd.s32 s2, s0;
	[tilespmem:s11+$0xE430] =	vst v1  }
0x5b: {  	[hbm4b:s0+s3] =	stream.linear.scatter [tilespmem:s16], [sflag:$0x7], $0x4000, $0x38;
	[tilespmem:$0x1A400] =	vst v63  }
0x5c: {  	s11 =	smul.u32 @!p0 $0x1400, s21;
	s0 =	simm.s32 @!p0 $0x6  }
0x5d: {  	_ =	swait.ge @!p0 [sflag:s0], $0x4000  }
0x5e: {  	s14 =	simm.s32 @!p0 $0x80;
	s11 =	sshra.s32 @!p0 s11, $0x2;
	[sflag:s0] =	ssyncset.done @!p0 $0x0  }
0x5f: {  	s15 =	simm.s32 @!p0 $0x6400;
	[sflag:s0] =	ssyncadd.s32 @!p0 $0xFFFFC000;
	s0 =	sadd.s32 @!p0 $0x500, s11  }
0x60: {  	[tilespmem:s15], [sflag:$0x1] =	stream.indirect.gather @!p0 [hbm4b:s5+s14], $0x40, s0, s14, $0xb8;
	[tilespmem:$0x1A400] =	vst v63  }
0x61: {  	s0 =	sadd.s32 @!p0 $0x580, s11;
	s15 =	simm.s32 @!p0 $0x8400  }
0x62: {  	[tilespmem:s15], [sflag:$0x1] =	stream.indirect.gather @!p0 [hbm4b:s5+s14], $0x40, s0, s14, $0xb8;
	[tilespmem:$0x1A400] =	vst v63  }
0x63: {  	_ =	swait.ge [sflag:s30], $0x4000  }
0x64: {  	[sflag:s30] =	ssyncset.done $0x0  }
0x65: {  	s0 =	simm.s32 $0xFFFFC000;
	[sflag:s30] =	ssyncadd.s32 $0xFFFFC000  }
0x66: {  	v0 =	vld [tilespmem:s0+$0x12400]  }
0x67: {  	v2 =	vld [tilespmem:s0+$0x12410]  }
0x68: {  	s14 =	simm.s32 $0xFFFF0100;
	v1 =	vld [tilespmem:s0+$0x12420]  }
.LBB2_7:
0x69: {  	p1 =	sne.s32 s14, $0xFFFFFF00;
	v3 =	vld [tilespmem:s0+$0x12430];
	_ =	sdelay $0x1  }
0x6a: {  	v0 =	vmul.f32 $8.000000000e+00, v0  }
.Ltmp2:
0x6b: {  	v2 =	vmul.f32 $8.000000000e+00, v2;
	(pc) =	sbr.rel @p1 .LBB2_7-.Ltmp2, $4  }
0x6c: {  	s15 =	sshra.s32 s14, $0x2;
	[tilespmem:s0+$0x12400] =	vst v0;
	v1 =	vmul.f32 $8.000000000e+00, v1  }
0x6d: {  	v0 =	vld [tilespmem:s15+$0x12400];
	[tilespmem:s0+$0x12410] =	vst v2;
	v3 =	vmul.f32 $8.000000000e+00, v3  }
0x6e: {  	v2 =	vld [tilespmem:s15+$0x12410];
	[tilespmem:s0+$0x12420] =	vst v1  }
0x6f: {  	s14 =	sadd.s32 $0x100, s14;
	v1 =	vld [tilespmem:s15+$0x12420];
	[tilespmem:s0+$0x12430] =	vst v3;
	s0 =	smov.u32 s15  }
0x70: {  	v3 =	vld [tilespmem:s0+$0x12430];
	_ =	sdelay $0x1  }
0x71: {  	v0 =	vmul.f32 $8.000000000e+00, v0  }
0x72: {  	v2 =	vmul.f32 $8.000000000e+00, v2  }
0x73: {  	s10 =	sadd.s32 s10, s8;
	[tilespmem:s0+$0x12400] =	vst v0;
	v0 =	vmul.f32 $8.000000000e+00, v1  }
0x74: {  	s10 =	sshll.u32 s10, $0x3;
	[tilespmem:s0+$0x12410] =	vst v2;
	v1 =	vmul.f32 $8.000000000e+00, v3  }
0x75: {  	s10 =	sand.u32 $0x1FFFF800, s10;
	[tilespmem:s0+$0x12420] =	vst v0  }
0x76: {  	s15 =	sadd.s32 s2, s10;
	[tilespmem:s0+$0x12430] =	vst v1;
	s0 =	simm.s32 @!p0 $0x7  }
0x77: {  	[hbm4b:s15+s3] =	stream.linear.scatter [tilespmem:s20], [sflag:$0x8], $0x4000, $0x38;
	[tilespmem:$0x1A400] =	vst v63  }
0x78: {  	_ =	swait.ge @!p0 [sflag:s0], $0x4000  }
0x79: {  	s14 =	simm.s32 @!p0 $0xA400;
	[sflag:s0] =	ssyncset.done @!p0 $0x0  }
0x7a: {  	s10 =	simm.s32 @!p0 $0x80;
	[sflag:s0] =	ssyncadd.s32 @!p0 $0xFFFFC000;
	s0 =	sadd.s32 @!p0 $0x600, s11  }
0x7b: {  	[tilespmem:s14], [sflag:$0x2] =	stream.indirect.gather @!p0 [hbm4b:s5+s10], $0x40, s0, s10, $0xb8;
	[tilespmem:$0x1A400] =	vst v63  }
0x7c: {  	s0 =	sadd.s32 @!p0 $0x680, s11;
	s14 =	simm.s32 @!p0 $0xC400  }
0x7d: {  	[tilespmem:s14], [sflag:$0x2] =	stream.indirect.gather @!p0 [hbm4b:s5+s10], $0x40, s0, s10, $0xb8;
	[tilespmem:$0x1A400] =	vst v63  }
0x7e: {  	_ =	swait.ge [sflag:s31], $0x4000  }
0x7f: {  	[sflag:s31] =	ssyncset.done $0x0  }
0x80: {  	s0 =	simm.s32 $0xFFFFC000;
	[sflag:s31] =	ssyncadd.s32 $0xFFFFC000  }
0x81: {  	v0 =	vld [tilespmem:s0+$0x16400]  }
0x82: {  	v2 =	vld [tilespmem:s0+$0x16410]  }
0x83: {  	s10 =	simm.s32 $0xFFFF0100;
	v1 =	vld [tilespmem:s0+$0x16420]  }
.LBB2_9:
0x84: {  	p1 =	sne.s32 s10, $0xFFFFFF00;
	v3 =	vld [tilespmem:s0+$0x16430];
	_ =	sdelay $0x1  }
0x85: {  	v0 =	vmul.f32 $8.000000000e+00, v0  }
.Ltmp3:
0x86: {  	v2 =	vmul.f32 $8.000000000e+00, v2;
	(pc) =	sbr.rel @p1 .LBB2_9-.Ltmp3, $4  }
0x87: {  	s14 =	sshra.s32 s10, $0x2;
	[tilespmem:s0+$0x16400] =	vst v0;
	v1 =	vmul.f32 $8.000000000e+00, v1  }
0x88: {  	v0 =	vld [tilespmem:s14+$0x16400];
	[tilespmem:s0+$0x16410] =	vst v2;
	v3 =	vmul.f32 $8.000000000e+00, v3  }
0x89: {  	v2 =	vld [tilespmem:s14+$0x16410];
	[tilespmem:s0+$0x16420] =	vst v1  }
0x8a: {  	s10 =	sadd.s32 $0x100, s10;
	v1 =	vld [tilespmem:s14+$0x16420];
	[tilespmem:s0+$0x16430] =	vst v3;
	s0 =	smov.u32 s14  }
0x8b: {  	v3 =	vld [tilespmem:s0+$0x16430];
	_ =	sdelay $0x1  }
0x8c: {  	v0 =	vmul.f32 $8.000000000e+00, v0  }
0x8d: {  	v2 =	vmul.f32 $8.000000000e+00, v2  }
0x8e: {  	s10 =	sshll.u32 s22, $0xE;
	[tilespmem:s0+$0x16400] =	vst v0;
	v0 =	vmul.f32 $8.000000000e+00, v1  }
0x8f: {  	s10 =	sadd.s32 s9, s10;
	[tilespmem:s0+$0x16410] =	vst v2;
	v1 =	vmul.f32 $8.000000000e+00, v3  }
0x90: {  	s10 =	sshrl.u32 s10, $0x3;
	[tilespmem:s0+$0x16420] =	vst v0  }
0x91: {  	s22 =	sadd.s32 s2, s10;
	[tilespmem:s0+$0x16430] =	vst v1;
	s0 =	simm.s32 @!p0 $0x8  }
0x92: {  	[hbm4b:s22+s3] =	stream.linear.scatter [tilespmem:s23], [sflag:$0x9], $0x4000, $0x38;
	[tilespmem:$0x1A400] =	vst v63  }
0x93: {  	_ =	swait.ge @!p0 [sflag:s0], $0x4000  }
0x94: {  	s14 =	simm.s32 @!p0 $0xE400;
	[sflag:s0] =	ssyncset.done @!p0 $0x0  }
0x95: {  	s10 =	simm.s32 @!p0 $0x80;
	[sflag:s0] =	ssyncadd.s32 @!p0 $0xFFFFC000;
	s0 =	sadd.s32 @!p0 $0x700, s11  }
0x96: {  	[tilespmem:s14], [sflag:$0x3] =	stream.indirect.gather @!p0 [hbm4b:s5+s10], $0x40, s0, s10, $0xb8;
	[tilespmem:$0x1A400] =	vst v63  }
0x97: {  	s0 =	sadd.s32 @!p0 $0x780, s11;
	s11 =	simm.s32 @!p0 $0x10400  }
0x98: {  	[tilespmem:s11], [sflag:$0x3] =	stream.indirect.gather @!p0 [hbm4b:s5+s10], $0x40, s0, s10, $0xb8;
	[tilespmem:$0x1A400] =	vst v63  }
0x99: {  	_ =	swait.ge [sflag:s1], $0x4000  }
0x9a: {  	[sflag:s1] =	ssyncset.done $0x0  }
0x9b: {  	s0 =	simm.s32 $0xFFFFC000;
	[sflag:s1] =	ssyncadd.s32 $0xFFFFC000  }
0x9c: {  	v0 =	vld [tilespmem:s0+$0x1A400]  }
0x9d: {  	v2 =	vld [tilespmem:s0+$0x1A410]  }
0x9e: {  	s10 =	simm.s32 $0xFFFF0100;
	v1 =	vld [tilespmem:s0+$0x1A420]  }
.LBB2_11:
0x9f: {  	p0 =	sne.s32 s10, $0xFFFFFF00;
	v3 =	vld [tilespmem:s0+$0x1A430];
	_ =	sdelay $0x1  }
0xa0: {  	v0 =	vmul.f32 $8.000000000e+00, v0  }
.Ltmp4:
0xa1: {  	v2 =	vmul.f32 $8.000000000e+00, v2;
	(pc) =	sbr.rel @p0 .LBB2_11-.Ltmp4, $4  }
0xa2: {  	s11 =	sshra.s32 s10, $0x2;
	[tilespmem:s0+$0x1A400] =	vst v0;
	v1 =	vmul.f32 $8.000000000e+00, v1  }
0xa3: {  	v0 =	vld [tilespmem:s11+$0x1A400];
	[tilespmem:s0+$0x1A410] =	vst v2;
	v3 =	vmul.f32 $8.000000000e+00, v3  }
0xa4: {  	v2 =	vld [tilespmem:s11+$0x1A410];
	[tilespmem:s0+$0x1A420] =	vst v1  }
0xa5: {  	s10 =	sadd.s32 $0x100, s10;
	v1 =	vld [tilespmem:s11+$0x1A420];
	[tilespmem:s0+$0x1A430] =	vst v3;
	s0 =	smov.u32 s11  }
0xa6: {  	v3 =	vld [tilespmem:s0+$0x1A430];
	_ =	sdelay $0x1  }
0xa7: {  	s21 =	sadd.s32 $0x1, s21;
	v0 =	vmul.f32 $8.000000000e+00, v0  }
0xa8: {  	p0 =	sne.s32 s21, $0x14;
	v2 =	vmul.f32 $8.000000000e+00, v2  }
.Ltmp5:
0xa9: {  	s6 =	sshll.u32 s6, $0xE;
	[tilespmem:s0+$0x1A400] =	vst v0;
	v62 =	vmul.f32 $8.000000000e+00, v1;
	(pc) =	sbr.rel @p0 .LBB2_2-.Ltmp5, $4  }
0xaa: {  	s6 =	sadd.s32 s9, s6;
	[tilespmem:s0+$0x1A410] =	vst v2;
	v63 =	vmul.f32 $8.000000000e+00, v3  }
0xab: {  	s6 =	sshrl.u32 s6, $0x3;
	[tilespmem:s0+$0x1A420] =	vst v62  }
0xac: {  	s22 =	sadd.s32 s2, s6;
	[tilespmem:s0+$0x1A430] =	vst v63  }
0xad: {  	[hbm4b:s22+s3] =	stream.linear.scatter [tilespmem:s26], [sflag:$0xA], $0x4000, $0x38;
	[tilespmem:$0x1A400] =	vst v63  }
0xae: {  	s0 =	simm.s32 $0x6  }
0xaf: {  	_ =	swait.ge [sflag:s0], $0x4000  }
0xb0: {  	[sflag:s0] =	ssyncset.done $0x0  }
0xb1: {  	s15 =	simm.s32 $0x7;
	[sflag:s0] =	ssyncadd.s32 $0xFFFFC000  }
0xb2: {  	_ =	swait.ge [sflag:s15], $0x4000  }
0xb3: {  	[sflag:s15] =	ssyncset.done $0x0  }
0xb4: {  	s21 =	simm.s32 $0x8;
	[sflag:s15] =	ssyncadd.s32 $0xFFFFC000  }
0xb5: {  	_ =	swait.ge [sflag:s21], $0x4000  }
0xb6: {  	[sflag:s21] =	ssyncset.done $0x0  }
0xb7: {  	[sflag:s21] =	ssyncadd.s32 $0xFFFFC000  }
0xb8: {  	_ =	swait.ge [sflag:s17], $0x4000  }
0xb9: {  	[sflag:s17] =	ssyncset.done $0x0  }
0xba: {  	[sflag:s17] =	ssyncadd.s32 $0xFFFFC000  }
0xbb: {  	_ =	swait.ge [sflag:s18], $0x4000  }
0xbc: {  	s19 =	sadd.s32 $0x1, s19;
	s22 =	rddreg [dreg:$0x4]  }
0xbd: {  	p0 =	sne.s32 s19, s22  }
.Ltmp6:
0xbe: {  	_ = 	snop;
	(pc) =	sbr.rel @p0 .LBB2_1-.Ltmp6, $3  }
0xbf: {  	_ =	sdelay $0x1  }
0xc0: {  	[sflag:s18] =	ssyncset.done $0x0  }
0xc1: {  	[sflag:s18] =	ssyncadd.s32 $0xFFFFC000  }
0xc2: {  	_ =	sfence.sel $0x180000  }
0xc3: {  	[bflag:$0x0] =	sbarrier.arrive $0xFFFF  }
0xc4: {  	_ =	strace $0x90000047  }
0xc5: {  	s0 =	stileid.u32;
	[bflag:$0x2] =	sbarrier.arrive $0xFFFF  }
0xc6: {  	p0 =	sne.s32 s0, $0x0;
	s0 =	rddreg [dreg:$0x2]  }
0xc7: {  	s0 =	sadd.s32 @!p0 $0x100000, s0  }
0xc8: {  	[sflag:s0] =	ssyncadd.tile.s32 @!p0 $0x1;
	_ =	shalt  }
.Lfunc_end2:
_tile_overlayer_lowered:
.L_overlay_start_2:
0xc9: {  	(tag) =	ssettag $0x2  }
0xca: {  	s0 =	rddreg [dreg:$0x0];
	s2 =	stileid.u32  }
0xcb: {  	s1 =	rddreg [dreg:$0x1];
	p0 =	sne.s32 s2, $0x0  }
0xcc: {  	s3 =	rddreg [dreg:$0x2];
	[bflag:$0x3] =	sbarrier.arrive $0xFFFF;
	s2 =	simm.s32 @!p0 $0x1C0B  }
0xcd: {  	[timem:s3], [sflag:s2] =	dma.local @!p0 [hbm:s0], s1  }
0xce: {  	s0 =	simm.s32 @!p0 $0xB  }
0xcf: {  	_ =	swait.ge @!p0 [sflag:s0], s1  }
0xd0: {  	s1 =	ssub.s32 @!p0 $0x0, s1;
	[sflag:s0] =	ssyncset.done @!p0 $0x0  }
0xd1: {  	[sflag:s0] =	ssyncadd.s32 @!p0 s1  }
0xd2: {  	[bflag:$0x3] =	sbarrier.arrive $0xFFFF  }
0xd3: {  	_ =	shalt  }

// kernel: sparse-core-data-format-call.cloned.1.call-start
scs
called_computation_lowered:
.L_overlay_start_0:
0x0: {  	s2 =	sld [smem:$0x3FD9]  }
0x1: {  	s3 =	sld [smem:$0x3FFE];
	_ =	sdelay $0x1  }
0x2: {  	s1 =	srdreg.scid  }
0x3: {  	s0 =	sand.u32 $0x1, s1  }
0x4: {  	s18 =	sshll.u32 s0, $0xA;
	s2 =	sadd.s32 s3, s2  }
0x5: {  	s2 =	sadd.s32 s2, s18  }
0x6: {  	[smem:$0x3FC6] =	sst s2  }
0x7: {  	_ = 	snop  }
0x8: {  	s2 =	sld [smem:$0x3FD0];
	(tm) =	ssettm $0x1  }
0x9: {  	s19 =	sld [smem:$0x3FFB];
	_ =	sdelay $0x3  }
0xa: {  	_ =	strace s19  }
0xb: {  	s3 =	sld [smem:$0x3FFC];
	_ =	sdelay $0x3  }
0xc: {  	_ =	strace s3  }
0xd: {  	s3 =	sld [smem:$0x3FFD];
	_ =	sdelay $0x3  }
0xe: {  	_ =	strace s3  }
0xf: {  	_ =	strace $0x8FFFFFFF  }
0x10: {  	s20 =	sld [smem:$0x3FDB];
	_ =	sdelay $0x1  }
0x11: {  	s4 =	simm.s32 $_scs_section_size  }
0x12: {  	s5 =	simm.s32 $_size__tile_overlayer_lowered;
	s6 =	simm.s32 $_tile_overlayer_lowered  }
0x13: {  	s23 =	simm.s32 $0x1BFF;
	s22 =	sshll.u32 s6, $0x1;
	s3 =	sadd.s32 s4, s20  }
0x14: {  	s7 =	simm.s32 $0x0;
	s21 =	sshll.u32 s5, $0x1;
	s5 =	sadd.s32 s22, s3  }
0x15: {  	[timem:s7], [sflag:s23] =	dma.local [hbm:s5], s21  }
0x16: {  	_ =	swait.ge [sflag:s23], s21  }
0x17: {  	s4 =	ssub.s32 $0x0, s21;
	[sflag:s23] =	ssyncset.done $0x0  }
0x18: {  	[sflag:s23] =	ssyncadd.s32 s4;
	_ =	sdelay $0x1  }
0x19: {  	s24 =	simm.s32 $0x1B8B  }
0x1a: {  	_ =	swait.ge [sflag:s24], $0x1  }
0x1b: {  	[sflag:s24] =	ssyncset.done $0x0  }
0x1c: {  	s26 =	simm.s32 $0x1B8E;
	s25 =	sld [smem:$0x3FFE];
	[sflag:s24] =	ssyncadd.s32 $0xFFFFFFFF  }
0x1d: {  	s27 =	simm.s32 $execute0_lowered;
	[smem:$0x3FD2] =	sst s26  }
0x1e: {  	s5 =	sshll.u32 s27, $0x1;
	_ =	strace $0x80000049;
	[dreg:$0x1] =	wrdreg $0xFFFFFFFF  }
0x1f: {  	s28 =	simm.s32 $_size_execute0_lowered;
	s3 =	sadd.s32 s3, s5;
	[dreg:$0x0] =	wrdreg $0x0  }
0x20: {  	s5 =	sshll.u32 s28, $0x1;
	[dreg:$0x2] =	wrdreg s3  }
0x21: {  	[dreg:$0x3] =	wrdreg s5  }
0x22: {  	[dreg:$0x4] =	wrdreg $0xC0  }
0x23: {  	_ =	task [dreg:s7], $0x5FFFF  }
0x24: {  	[dreg:$0x1] =	wrdreg $0xFFFFFFFF  }
0x25: {  	[dreg:$0x0] =	wrdreg $0x60  }
0x26: {  	[dreg:$0x2] =	wrdreg s25  }
0x27: {  	[dreg:$0x3] =	wrdreg s2  }
0x28: {  	[dreg:$0x4] =	wrdreg $0x9  }
0x29: {  	_ =	task.clear_ibuf [dreg:s7], $0x5FFFF;
	_ =	strace $0x90000049  }
0x2a: {  	s29 =	simm.s32 $0x9;
	_ =	strace $0x8000004B  }
0x2b: {  	_ =	swait.ge [sflag:s29], $0x1  }
0x2c: {  	[sflag:s29] =	ssyncadd.s32 $0xFFFFFFFF  }
0x2d: {  	_ =	strace $0x9000004B  }
0x2e: {  	_ =	sfence  }
0x2f: {  	s30 =	sld [smem:$0x0];
	_ =	sdelay $0x2  }
0x30: {  	s31 =	sshll.u32 s1, $0xD;
	s1 =	sshrl.u32 s1, $0x2  }
0x31: {  	s3 =	sand.u32 $0x4000, s31;
	s1 =	sadd.s32 s1, s30  }
0x32: {  	s0 =	sor.u32 s3, s0;
	s1 =	sshll.u32 s1, $0x11  }
0x33: {  	s0 =	sor.u32 s1, s0  }
0x34: {  	s0 =	sadd.s32 $0x8F2B, s0  }
0x35: {  	[sflag:s0] =	ssyncadd.remote.s32 $0x1  }
0x36: {  	_ =	sfence.sel $0xFFFF  }
0x37: {  	[dreg:$0x0] =	wrdreg $0xFFFFFFFF;
	(pc) =	sbr.abs _section_cstart, $3  }
0x38: {  	[dreg:$0x1] =	wrdreg $0xFFFFFFFF  }
0x39: {  	_ =	task.clear_ibuf [dreg:s7], $0x2FFFF;
	_ =	strace $0x9FFFFFFF  }
0x3a: {  	(tm) =	ssettm $0x7FFFFFFF  }
0x3b: {  	_ =	shalt  }
tec
execute0_lowered:
.L_overlay_start_1:
0x0: {  	(tag) =	ssettag $0x1  }
0x1: {  	s0 =	srdreg.scid  }
0x2: {  	s1 =	sshll.u32 s0, $0x4  }
0x3: {  	s0 =	stileid.u32;
	s1 =	sand.u32 $0x10, s1  }
0x4: {  	s1 =	sor.u32 s0, s1  }
0x5: {  	s6 =	rddreg [dreg:$0x0];
	s4 =	simm.s32 $0x1;
	s2 =	sshll.u32 s1, $0x7  }
0x6: {  	s7 =	simm.s32 $0x2;
	s12 =	simm.s32 $0x0;
	s1 =	ssub.s32 $0x1000, s2  }
0x7: {  	s8 =	simm.s32 $0x8000;
	s13 =	simm.s32 $0x0;
	s3 =	sand.u32 $0xF80, s1  }
0x8: {  	s9 =	simm.s32 $0x0;
	s5 =	sshrl.u32 s1, $0xC;
	p0 =	sne.s32 s3, $0x0  }
.Ltmp0:
0x9: {  	s1 =	rddreg [dreg:$0x2];
	s4 =	simm.s32 @!p0 $0x0;
	(pc) =	sbr.rel .LBB1_1-.Ltmp0, $4  }
0xa: {  	s11 =	simm.s32 $0x0;
	s3 =	rddreg [dreg:$0x1];
	s5 =	sadd.s32 s4, s5  }
0xb: {  	_ =	strace $0x8000004A;
	s4 =	simm.s32 $0x1;
	s5 =	smul.u32 $0xC8, s5  }
0xc: {  	s6 =	sadd.s32 $0xA00, s6;
	s10 =	smov.u32 s2;
	[sflag:s4] =	ssyncpa.u1 $0x0  }
0xd: {  	p0 =	por $0x0, $0x0;
	[sflag:s7] =	ssyncpa.u1 $0x0;
	s7 =	sor.u32 $0x1, s5  }
.LBB1_4:
0xe: {  	s16 =	sshll.u32 s13, $0x3;
	s17 =	sand.u32 $0x78, s13  }
0xf: {  	s30 =	sand.u32 $0x7E00, s13;
	s12 =	sshll.u32 s12, $0xF;
	s16 =	sand.u32 $0xC00, s16  }
0x10: {  	[tilespmem:s15+$0x810 ss:$0x81] =	vst.msk $0xffff, v2;
	s31 =	sand.u32 $0x7, s13;
	s16 =	sor.u32 s17, s16;
	s17 =	sadd.s32 s3, s30  }
0x11: {  	[tilespmem:s15+$0x1020 ss:$0x81] =	vst.msk $0xffff, v0;
	s13 =	sshll.u32 s31, $0x12;
	s12 =	sadd.s32 s12, s17;
	s16 =	sshrl.u32 s16, $0x3  }
0x12: {  	[tilespmem:s15+$0x0 ss:$0x81] =	vst.msk $0xffff, v1;
	s13 =	sor.u32 $0x400, s13;
	s12 =	sadd.s32 s16, s12  }
0x13: {  	[hbm4b:s12+s13] =	stream.strided.scatter [tilespmem:s14], [sflag:$0x2], $0x2000, s8, s13, $0x20;
	[tilespmem:$0x8080] =	vst v63  }
.LBB1_5:
0x14: {  	s14 =	sadd.s32 $0x1, s9  }
0x15: {  	s12 =	sadd.s32 $0x1000, s10;
	s16 =	smov.u32 s10;
	p2 =	sgt.s32 s14, $0xC7  }
0x16: {  	s16 =	smov.u32 @p2 s12  }
0x17: {  	s14 =	simm.s32 @p2 $0x0;
	p2 =	sgt.s32 s16, $0xFFF  }
0x18: {  	s16 =	smov.u32 @p2 s2;
	p2 =	sne.s32 s11, s7  }
.Ltmp1:
0x19: {  	p1 =	slt.u32 s11, $0x2;
	(pc) =	sbr.rel @!p2 .LBB1_6-.Ltmp1, $4  }
0x1a: {  	s15 =	simm.s32 @!p1 $0x2  }
0x1b: {  	s13 =	smov.u32 s10;
	p0 =	por !p0, !p0;
	_ =	swait.ge @!p1 [sflag:s15], $0x2000  }
0x1c: {  	s12 =	smov.u32 s9;
	[sflag:s15] =	ssyncset.done @!p1 $0x0;
	s9 =	smov.u32 s14  }
0x1d: {  	s11 =	sadd.s32 $0x1, s11;
	[sflag:s15] =	ssyncadd.s32 @!p1 $0xFFFFE000;
	s10 =	smov.u32 s16  }
.LBB1_1:
0x1e: {  	p1 =	sge.u32 s11, s5  }
0x1f: {  	s14 =	sand.u32 @!p1 $0x1FFFFFF, s9  }
0x20: {  	s15 =	smulhi.u32 @!p1 $0x147AE15, s14;
	_ =	sdelay $0x1  }
0x21: {  	s15 =	smul.u32 @!p1 $0xC8, s15  }
0x22: {  	s16 =	sxor.u32 @!p1 $0xFFFFFFFF, s11;
	s17 =	smul.u32 @!p1 $0xC80, s10  }
0x23: {  	s31 =	sadd.s32 $0xFFFFFFFF, s11;
	s16 =	sshll.u32 @!p1 s16, $0xD;
	s14 =	ssub.s32 @!p1 s14, s15  }
0x24: {  	s15 =	sand.u32 @!p1 $0x2000, s16;
	s16 =	sadd.s32 @!p1 s6, s17;
	s14 =	sshll.u32 @!p1 s14, $0x4  }
0x25: {  	s17 =	simm.s32 @!p1 $0x6400;
	s14 =	sadd.s32 @!p1 s14, s16;
	s16 =	simm.s32 @!p1 $0x40  }
0x26: {  	[tilespmem:s15], [sflag:$0x1] =	stream.strided.gather @!p1 [hbm4b:s14+s16], $0x2000, s17, s16, $0x38;
	[tilespmem:$0x8080] =	vst v63  }
0x27: {  	p1 =	sge.u32 s31, s5  }
.Ltmp2:
0x28: {  	_ = 	snop;
	(pc) =	sbr.rel @p1 .LBB1_5-.Ltmp2, $1  }
0x29: {  	_ =	sdelay $0x3  }
0x2a: {  	s14 =	simm.s32 $0x1  }
0x2b: {  	_ =	swait.ge [sflag:s4], $0x2000;
	s14 =	simm.s32 @!p0 $0x0  }
0x2c: {  	[sflag:s4] =	ssyncset.done $0x0;
	s15 =	sshll.u32 s14, $0xD  }
0x2d: {  	[sflag:s4] =	ssyncadd.s32 $0xFFFFE000;
	s18 =	sor.u32 $0x20, s15  }
0x2e: {  	s14 =	smul.u32 $0x8100, s14;
	v3 =	vld [tilespmem:s18+$0x10]  }
0x2f: {  	s30 =	sand.u32 $0x1, s11;
	v2 =	vld [tilespmem:s18+$0xFFFFFFF0]  }
0x30: {  	s15 =	smul.u32 $0x8100, s30;
	s14 =	sshrl.u32 s14, $0x2;
	v0 =	vld [tilespmem:s18+$0x0]  }
0x31: {  	v1 =	vld [tilespmem:s18+$0xFFFFFFE0];
	s16 =	sor.u32 $0x4000, s14  }
0x32: {  	s31 =	sshrl.u32 s15, $0x2;
	s15 =	sadd.s32 $0x0, s16  }
0x33: {  	s17 =	simm.s32 $0x4;
	s18 =	sadd.s32 $0x40, s18;
	s14 =	sor.u32 $0x4000, s31;
	[tilespmem:s15+$0x1830 ss:$0x81] =	vst.msk $0xffff, v3  }
.LBB1_3:
0x34: {  	v3 =	vld [tilespmem:s18+$0x10];
	p1 =	sne.s32 s17, $0x1FC;
	[tilespmem:s15+$0x810 ss:$0x81] =	vst.msk $0xffff, v2;
	s19 =	smov.u32 s17;
	s17 =	sadd.s32 $0x4, s17  }
.Ltmp3:
0x35: {  	v2 =	vld [tilespmem:s18+$0xFFFFFFF0];
	[tilespmem:s15+$0x1020 ss:$0x81] =	vst.msk $0xffff, v0;
	(pc) =	sbr.rel @p1 .LBB1_3-.Ltmp3, $4  }
0x36: {  	v0 =	vld [tilespmem:s18+$0x0];
	[tilespmem:s15+$0x0 ss:$0x81] =	vst.msk $0xffff, v1  }
0x37: {  	s15 =	sshra.s32 s19, $0x2;
	v1 =	vld [tilespmem:s18+$0xFFFFFFE0]  }
0x38: {  	s15 =	sadd.s32 s15, s16  }
0x39: {  	s18 =	sadd.s32 $0x40, s18;
	[tilespmem:s15+$0x1830 ss:$0x81] =	vst.msk $0xffff, v3  }
.Ltmp4:
0x3a: {  	_ = 	snop;
	(pc) =	sbr.rel .LBB1_4-.Ltmp4, $1  }
0x3b: {  	_ =	sdelay $0x3  }
.LBB1_6:
0x3c: {  	_ =	sfence.sel $0x180000  }
0x3d: {  	s2 =	simm.s32 $0x1;
	[bflag:$0x0] =	sbarrier.arrive $0xFFFF  }
0x3e: {  	s31 =	simm.s32 $0x2;
	[sflag:s2] =	ssyncpa.u1 $0x1  }
0x3f: {  	[sflag:s31] =	ssyncpa.u1 $0x1  }
0x40: {  	p0 =	sne.s32 s0, $0x0;
	_ =	strace $0x9000004A  }
0x41: {  	s0 =	sadd.s32 @!p0 $0x100000, s1;
	[bflag:$0x2] =	sbarrier.arrive $0xFFFF  }
0x42: {  	[sflag:s0] =	ssyncadd.tile.s32 @!p0 $0x1;
	_ =	shalt  }
.Lfunc_end1:
_tile_overlayer_lowered:
.L_overlay_start_2:
0x43: {  	(tag) =	ssettag $0x2  }
0x44: {  	s0 =	rddreg [dreg:$0x0];
	s2 =	stileid.u32  }
0x45: {  	s1 =	rddreg [dreg:$0x1];
	p0 =	sne.s32 s2, $0x0  }
0x46: {  	s3 =	rddreg [dreg:$0x2];
	[bflag:$0x3] =	sbarrier.arrive $0xFFFF;
	s2 =	simm.s32 @!p0 $0x1C01  }
0x47: {  	[timem:s3], [sflag:s2] =	dma.local @!p0 [hbm:s0], s1  }
0x48: {  	s0 =	simm.s32 @!p0 $0x1  }
0x49: {  	_ =	swait.ge @!p0 [sflag:s0], s1  }
0x4a: {  	s1 =	ssub.s32 @!p0 $0x0, s1;
	[sflag:s0] =	ssyncset.done @!p0 $0x0  }
0x4b: {  	[sflag:s0] =	ssyncadd.s32 @!p0 s1  }
0x4c: {  	[bflag:$0x3] =	sbarrier.arrive $0xFFFF  }
0x4d: {  	_ =	shalt  }

</sc_bundles>
